<compile_context>
chip_gen: v7x
topology: tpu7x:2x2x1
jax: 0.10.2.dev20260603
libtpu: 0.0.44.dev20260713+nightly
codegen_flags: <defaults>
</compile_context>

<pallas_src>
import functools

import jax
import jax.numpy as jnp
from jax import lax
from jax.experimental import pallas as pl
from jax.experimental.pallas import tpu as pltpu
from jax.experimental.pallas import tpu_sc as plsc

VOCAB = 100000
EMBED_DIM = 64
B = 16384
L = 50
TOT = B * L

_info = plsc.get_sparse_core_info()
NC, NS = _info.num_cores, _info.num_subcores

BLK = 128
NBLK = B // (NC * BLK)
BAT_TEC = BLK // NS
ROWS = BAT_TEC * L

_mesh = plsc.VectorSubcoreMesh(core_axis_name="c", subcore_axis_name="s")


@functools.partial(
    pl.kernel,
    mesh=_mesh,
    out_type=jax.ShapeDtypeStruct((L, EMBED_DIM, B), jnp.float32),
    scratch_types=[
        pltpu.VMEM((ROWS,), jnp.int32),
        pltpu.VMEM((ROWS,), jnp.int32),
        pltpu.VMEM((ROWS, EMBED_DIM), jnp.float32),
        pltpu.VMEM((ROWS, EMBED_DIM), jnp.float32),
        pltpu.VMEM((L, EMBED_DIM, BAT_TEC), jnp.float32),
        pltpu.VMEM_SHARED((L, EMBED_DIM, BLK), jnp.float32),
        pltpu.VMEM_SHARED((L, EMBED_DIM, BLK), jnp.float32),
        pltpu.SemaphoreType.DMA,
        pltpu.SemaphoreType.DMA,
        pltpu.SemaphoreType.DMA,
        pltpu.SemaphoreType.DMA,
        pltpu.SemaphoreType.DMA,
        pltpu.SemaphoreType.DMA,
    ],
    compiler_params=pltpu.CompilerParams(
        use_tc_tiling_on_sc=False, needs_layout_passes=False
    ),
)
def _gather_sc(
    idx_hbm, table_hbm, out_hbm,
    idx0, idx1, rows0, rows1, trans, stage0, stage1,
    is0, is1, gs0, gs1, ss0, ss1,
):
    c = lax.axis_index("c")
    s = lax.axis_index("s")
    idxb = (idx0, idx1)
    rowsb = (rows0, rows1)
    stageb = (stage0, stage1)
    isem = (is0, is1)
    gsem = (gs0, gs1)
    ssem = (ss0, ss1)

    def blk_off(blk):
        bat = c * (B // NC) + blk * BLK + s * BAT_TEC
        return pl.multiple_of(bat * L, ROWS)

    def i_start(blk, p):
        pltpu.async_copy(
            idx_hbm.at[pl.ds(blk_off(blk), ROWS)], idxb[p], isem[p]
        )

    def i_wait(p):
        pltpu.make_async_copy(
            idx_hbm.at[pl.ds(0, ROWS)], idxb[p], isem[p]
        ).wait()

    def g_start(p):
        pltpu.async_copy(table_hbm.at[idxb[p]], rowsb[p], gsem[p])

    def g_wait(p):
        pltpu.make_async_copy(
            table_hbm.at[idxb[p]], rowsb[p], gsem[p]
        ).wait()

    iota = lax.iota(jnp.int32, 16)
    dvecs = [d0 + iota for d0 in range(0, EMBED_DIM, 16)]
    jvecs = [jnp.full((16,), j, jnp.int32) for j in range(BAT_TEC)]

    combos = [
        (j, di, d0)
        for j in range(BAT_TEC)
        for di, d0 in enumerate(range(0, EMBED_DIM, 16))
    ]

    def transpose(p):
        @plsc.parallel_loop(0, L)
        def _(l):
            lvec = jnp.full((16,), l, jnp.int32)
            for g in range(0, len(combos), 8):
                grp = combos[g:g + 8]
                vecs = [
                    rowsb[p][j * L + l, pl.ds(d0, 16)] for j, _, d0 in grp
                ]
                for (j, di, _), vec in zip(grp, vecs):
                    plsc.store_scatter(
                        trans, [lvec, dvecs[di], jvecs[j]], vec
                    )

    def l_copy(p):
        pltpu.sync_copy(trans, stageb[p].at[:, :, pl.ds(s * BAT_TEC, BAT_TEC)])

    def st_start(blk, p):
        col = pl.multiple_of(c * (B // NC) + blk * BLK, BLK)
        pltpu.async_copy(stageb[p], out_hbm.at[:, :, pl.ds(col, BLK)], ssem[p])

    def st_wait(p):
        pltpu.make_async_copy(
            stageb[p], out_hbm.at[:, :, pl.ds(0, BLK)], ssem[p]
        ).wait()

    i_start(0, 0)
    i_start(1, 1)
    i_wait(0)
    g_start(0)

    @pl.loop(0, NBLK, step=2)
    def _(blk0):
        for bp in range(2):
            blk = blk0 + bp
            nbp = 1 - bp
            g_wait(bp)
            @pl.when(blk + 2 < NBLK)
            def _():
                i_start(blk + 2, bp)
            @pl.when(blk + 1 < NBLK)
            def _():
                i_wait(nbp)
                g_start(nbp)
            transpose(bp)
            @pl.when(jnp.logical_and(s == 0, blk >= 2))
            def _():
                st_wait(bp)
            plsc.subcore_barrier()
            l_copy(bp)
            plsc.subcore_barrier()
            @pl.when(s == 0)
            def _():
                st_start(blk, bp)

    @pl.when(s == 0)
    def _():
        st_wait(0)
        st_wait(1)
    plsc.subcore_barrier()


def kernel(indices, table):
    flat = indices.reshape(-1).astype(jnp.int32)
    out = _gather_sc(flat, table)
    return jnp.transpose(out, (2, 0, 1))

# --- scband reference (transcript-rebuilt; emitter-appended) ---
"""Pipeline reference for scband-geometric-embedding-11330123727542 (READ-ONLY COPY).

The authoritative reference and input builder live on the scoring server;
editing this copy changes nothing except your own understanding.
"""

import jax, jax.numpy as jnp
import numpy as np

VOCAB = 100000
EMBED_DIM = 64
B = 16384
L = 50

def setup_inputs(seed: int = 0) -> dict:
    key = jax.random.key(seed)
    k_idx, k_tab = jax.random.split(key)
    indices = jax.random.randint(k_idx, (B, L), 0, VOCAB, dtype=jnp.int64 if jax.config.jax_enable_x64 else jnp.int32)
    table = jax.random.normal(k_tab, (VOCAB, EMBED_DIM), dtype=jnp.float32) * 0.01
    return {"indices": indices, "table": table}

def reference(indices, table):
    # Euclidean geometry: plain embedding lookup (nn.Embedding)
    return jnp.take(table, indices, axis=0)

if __name__ == "__main__":
    import jax
    _d = setup_inputs()
    print(jax.jit(kernel)(*tuple(_d.values())))

</pallas_src>

<mosaic_0001>
#map = affine_map<(d0, d1) -> (0)>
#map1 = affine_map<(d0, d1) -> (0, 0)>
#map2 = affine_map<(d0, d1) -> (0, 0, 0)>
module attributes {stable_mosaic.version = 14 : i64} {
  func.func @_gather_sc(%arg0: i32, %arg1: i32, %arg2: memref<819200xi32, #tpu.memory_space<hbm>>, %arg3: memref<100000x64xf32, #tpu.memory_space<hbm>>, %arg4: memref<50x64x16384xf32, #tpu.memory_space<hbm>>, %arg5: memref<400xi32, #tpu.memory_space<vmem>>, %arg6: memref<400xi32, #tpu.memory_space<vmem>>, %arg7: memref<400x64xf32, #tpu.memory_space<vmem>>, %arg8: memref<400x64xf32, #tpu.memory_space<vmem>>, %arg9: memref<50x64x8xf32, #tpu.memory_space<vmem>>, %arg10: memref<50x64x128xf32, #tpu.memory_space<vmem_shared>>, %arg11: memref<50x64x128xf32, #tpu.memory_space<vmem_shared>>, %arg12: memref<!tpu.dma_semaphore, #tpu.memory_space<semaphore_mem>>, %arg13: memref<!tpu.dma_semaphore, #tpu.memory_space<semaphore_mem>>, %arg14: memref<!tpu.dma_semaphore, #tpu.memory_space<semaphore_mem>>, %arg15: memref<!tpu.dma_semaphore, #tpu.memory_space<semaphore_mem>>, %arg16: memref<!tpu.dma_semaphore, #tpu.memory_space<semaphore_mem>>, %arg17: memref<!tpu.dma_semaphore, #tpu.memory_space<semaphore_mem>>) attributes {dimension_semantics = [#tpu.dimension_semantics<core_parallel>, #tpu.dimension_semantics<subcore_parallel>], iteration_bounds = array<i64: 2, 16>, scalar_prefetch = 0 : i64, scratch_operands = 13 : i64, tpu.core_type = #tpu.core_type<sc_vector_subcore>, window_params = [{transform_indices = #map}, {transform_indices = #map1}, {transform_indices = #map2}]} {
    %iota3A = tpu.iota {dimensions = array<i32: 0>} : vector<16xi32>
    %add3A = arith.constant 0 : i32
    %add3A_0 = vector.broadcast %add3A : i32 to vector<16xi32>
    %add3A_1 = arith.addi %add3A_0, %iota3A : vector<16xi32>
    %add3A_2 = arith.constant 16 : i32
    %add3A_3 = vector.broadcast %add3A_2 : i32 to vector<16xi32>
    %add3A_4 = arith.addi %add3A_3, %iota3A : vector<16xi32>
    %add3A_5 = arith.constant 32 : i32
    %add3A_6 = vector.broadcast %add3A_5 : i32 to vector<16xi32>
    %add3A_7 = arith.addi %add3A_6, %iota3A : vector<16xi32>
    %add3A_8 = arith.constant 48 : i32
    %add3A_9 = vector.broadcast %add3A_8 : i32 to vector<16xi32>
    %add3A_10 = arith.addi %add3A_9, %iota3A : vector<16xi32>
    %broadcast_in_dim3A = arith.constant 0 : i32
    %broadcast_in_dim3A_11 = vector.broadcast %broadcast_in_dim3A : i32 to vector<16xi32>
    %broadcast_in_dim3A_12 = arith.constant 1 : i32
    %broadcast_in_dim3A_13 = vector.broadcast %broadcast_in_dim3A_12 : i32 to vector<16xi32>
    %broadcast_in_dim3A_14 = arith.constant 2 : i32
    %broadcast_in_dim3A_15 = vector.broadcast %broadcast_in_dim3A_14 : i32 to vector<16xi32>
    %broadcast_in_dim3A_16 = arith.constant 3 : i32
    %broadcast_in_dim3A_17 = vector.broadcast %broadcast_in_dim3A_16 : i32 to vector<16xi32>
    %broadcast_in_dim3A_18 = arith.constant 4 : i32
    %broadcast_in_dim3A_19 = vector.broadcast %broadcast_in_dim3A_18 : i32 to vector<16xi32>
    %broadcast_in_dim3A_20 = arith.constant 5 : i32
    %broadcast_in_dim3A_21 = vector.broadcast %broadcast_in_dim3A_20 : i32 to vector<16xi32>
    %broadcast_in_dim3A_22 = arith.constant 6 : i32
    %broadcast_in_dim3A_23 = vector.broadcast %broadcast_in_dim3A_22 : i32 to vector<16xi32>
    %broadcast_in_dim3A_24 = arith.constant 7 : i32
    %broadcast_in_dim3A_25 = vector.broadcast %broadcast_in_dim3A_24 : i32 to vector<16xi32>
    %mul3A = arith.constant 8192 : i32
    %mul3A_26 = arith.muli %arg0, %mul3A : i32
    %add3A_27 = arith.constant 0 : i32
    %add3A_28 = arith.addi %mul3A_26, %add3A_27 : i32
    %mul3A_29 = arith.constant 8 : i32
    %mul3A_30 = arith.muli %arg1, %mul3A_29 : i32
    %add3A_31 = arith.addi %add3A_28, %mul3A_30 : i32
    %mul3A_32 = arith.constant 50 : i32
    %mul3A_33 = arith.muli %add3A_31, %mul3A_32 : i32
    %multiple_of3A = tpu.assume_multiple %mul3A_33, 400 : i32
    %dma_start3A = tpu.memref_slice %arg2[%multiple_of3A] : memref<819200xi32, #tpu.memory_space<hbm>> -> memref<400xi32, #tpu.memory_space<hbm>>
    %dma_start3A_34 = tpu.memref_slice %arg2[%multiple_of3A] : memref<819200xi32, #tpu.memory_space<hbm>> -> memref<400xi32, #tpu.memory_space<hbm>>
    tpu.enqueue_dma source(%dma_start3A_34 : memref<400xi32, #tpu.memory_space<hbm>>) target(%arg5 : memref<400xi32, #tpu.memory_space<vmem>>) target_semaphore(%arg12 : memref<!tpu.dma_semaphore, #tpu.memory_space<semaphore_mem>>)
    %mul3A_35 = arith.constant 8192 : i32
    %mul3A_36 = arith.muli %arg0, %mul3A_35 : i32
    %add3A_37 = arith.constant 128 : i32
    %add3A_38 = arith.addi %mul3A_36, %add3A_37 : i32
    %mul3A_39 = arith.constant 8 : i32
    %mul3A_40 = arith.muli %arg1, %mul3A_39 : i32
    %add3A_41 = arith.addi %add3A_38, %mul3A_40 : i32
    %mul3A_42 = arith.constant 50 : i32
    %mul3A_43 = arith.muli %add3A_41, %mul3A_42 : i32
    %multiple_of3A_44 = tpu.assume_multiple %mul3A_43, 400 : i32
    %dma_start3A_45 = tpu.memref_slice %arg2[%multiple_of3A_44] : memref<819200xi32, #tpu.memory_space<hbm>> -> memref<400xi32, #tpu.memory_space<hbm>>
    %dma_start3A_46 = tpu.memref_slice %arg2[%multiple_of3A_44] : memref<819200xi32, #tpu.memory_space<hbm>> -> memref<400xi32, #tpu.memory_space<hbm>>
    tpu.enqueue_dma source(%dma_start3A_46 : memref<400xi32, #tpu.memory_space<hbm>>) target(%arg6 : memref<400xi32, #tpu.memory_space<vmem>>) target_semaphore(%arg13 : memref<!tpu.dma_semaphore, #tpu.memory_space<semaphore_mem>>)
    %dma_wait3A = arith.constant 0 : i32
    %dma_wait3A_47 = tpu.memref_slice %arg2[%dma_wait3A] : memref<819200xi32, #tpu.memory_space<hbm>> -> memref<400xi32, #tpu.memory_space<hbm>>
    %dma_wait3A_48 = arith.constant 0 : i32
    %dma_wait3A_49 = tpu.memref_slice %arg2[%dma_wait3A_48] : memref<819200xi32, #tpu.memory_space<hbm>> -> memref<400xi32, #tpu.memory_space<hbm>>
    tpu.wait_dma2 semaphore(%arg12 : memref<!tpu.dma_semaphore, #tpu.memory_space<semaphore_mem>>) src(%dma_wait3A_49 : memref<400xi32, #tpu.memory_space<hbm>>) dst(%arg5 : memref<400xi32, #tpu.memory_space<vmem>>)
    %dma_start3A_50 = arith.constant 0 : i32
    %dma_start3A_51 = arith.constant 0 : i32
    %dma_start3A_52 = tpu.memref_slice %arg3[%dma_start3A_50, %dma_start3A_51] : memref<100000x64xf32, #tpu.memory_space<hbm>> -> memref<100000x64xf32, #tpu.memory_space<hbm>>
    tpu.enqueue_indirect_dma source(%dma_start3A_52 : memref<100000x64xf32, #tpu.memory_space<hbm>>) target(%arg7 : memref<400x64xf32, #tpu.memory_space<vmem>>) offsets(%arg5 : memref<400xi32, #tpu.memory_space<vmem>>) semaphore(%arg14 : memref<!tpu.dma_semaphore, #tpu.memory_space<semaphore_mem>>)
    %scan3A = arith.constant 0 : i32
    %scan3A_53 = arith.constant 32 : i32
    %scan3A_54 = arith.addi %scan3A, %scan3A_53 : i32
    %scan3A_55 = arith.constant 1 : i32
    scf.for %scan3A_59 = %scan3A to %scan3A_54 step %scan3A_55  : i32 {
      %mul3A_60 = arith.constant 2 : i32
      %mul3A_61 = arith.muli %scan3A_59, %mul3A_60 : i32
      %add3A_62 = arith.constant 0 : i32
      %add3A_63 = arith.addi %add3A_62, %mul3A_61 : i32
      %add3A_64 = arith.constant 0 : i32
      %add3A_65 = arith.addi %add3A_63, %add3A_64 : i32
      %dma_wait3A_66 = arith.constant 0 : i32
      %dma_wait3A_67 = arith.constant 0 : i32
      %dma_wait3A_68 = tpu.memref_slice %arg3[%dma_wait3A_66, %dma_wait3A_67] : memref<100000x64xf32, #tpu.memory_space<hbm>> -> memref<100000x64xf32, #tpu.memory_space<hbm>>
      tpu.wait_indirect_dma semaphore(%arg14 : memref<!tpu.dma_semaphore, #tpu.memory_space<semaphore_mem>>) src(%dma_wait3A_68 : memref<100000x64xf32, #tpu.memory_space<hbm>>) dst(%arg7 : memref<400x64xf32, #tpu.memory_space<vmem>>)
      %add3A_69 = arith.constant 2 : i32
      %add3A_70 = arith.addi %add3A_65, %add3A_69 : i32
      %lt3A = arith.constant 64 : i32
      %lt3A_71 = arith.cmpi slt, %add3A_70, %lt3A : i32
      %convert_element_type3A_72 = arith.extui %lt3A_71 : i1 to i32
      %cond3A_73 = arith.constant 0 : i32
      %cond3A_74 = arith.cmpi ne, %convert_element_type3A_72, %cond3A_73 : i32
      scf.if %cond3A_74 {
        %add3A_138 = arith.constant 2 : i32
        %add3A_139 = arith.addi %add3A_65, %add3A_138 : i32
        %mul3A_140 = arith.constant 8192 : i32
        %mul3A_141 = arith.muli %arg0, %mul3A_140 : i32
        %mul3A_142 = arith.constant 128 : i32
        %mul3A_143 = arith.muli %add3A_139, %mul3A_142 : i32
        %add3A_144 = arith.addi %mul3A_141, %mul3A_143 : i32
        %mul3A_145 = arith.constant 8 : i32
        %mul3A_146 = arith.muli %arg1, %mul3A_145 : i32
        %add3A_147 = arith.addi %add3A_144, %mul3A_146 : i32
        %mul3A_148 = arith.constant 50 : i32
        %mul3A_149 = arith.muli %add3A_147, %mul3A_148 : i32
        %multiple_of3A_150 = tpu.assume_multiple %mul3A_149, 400 : i32
        %dma_start3A_151 = tpu.memref_slice %arg2[%multiple_of3A_150] : memref<819200xi32, #tpu.memory_space<hbm>> -> memref<400xi32, #tpu.memory_space<hbm>>
        %dma_start3A_152 = tpu.memref_slice %arg2[%multiple_of3A_150] : memref<819200xi32, #tpu.memory_space<hbm>> -> memref<400xi32, #tpu.memory_space<hbm>>
        tpu.enqueue_dma source(%dma_start3A_152 : memref<400xi32, #tpu.memory_space<hbm>>) target(%arg5 : memref<400xi32, #tpu.memory_space<vmem>>) target_semaphore(%arg12 : memref<!tpu.dma_semaphore, #tpu.memory_space<semaphore_mem>>)
      } else {
      }
      %add3A_75 = arith.constant 1 : i32
      %add3A_76 = arith.addi %add3A_65, %add3A_75 : i32
      %lt3A_77 = arith.constant 64 : i32
      %lt3A_78 = arith.cmpi slt, %add3A_76, %lt3A_77 : i32
      %convert_element_type3A_79 = arith.extui %lt3A_78 : i1 to i32
      %cond3A_80 = arith.constant 0 : i32
      %cond3A_81 = arith.cmpi ne, %convert_element_type3A_79, %cond3A_80 : i32
      scf.if %cond3A_81 {
        %dma_wait3A_138 = arith.constant 0 : i32
        %dma_wait3A_139 = tpu.memref_slice %arg2[%dma_wait3A_138] : memref<819200xi32, #tpu.memory_space<hbm>> -> memref<400xi32, #tpu.memory_space<hbm>>
        %dma_wait3A_140 = arith.constant 0 : i32
        %dma_wait3A_141 = tpu.memref_slice %arg2[%dma_wait3A_140] : memref<819200xi32, #tpu.memory_space<hbm>> -> memref<400xi32, #tpu.memory_space<hbm>>
        tpu.wait_dma2 semaphore(%arg13 : memref<!tpu.dma_semaphore, #tpu.memory_space<semaphore_mem>>) src(%dma_wait3A_141 : memref<400xi32, #tpu.memory_space<hbm>>) dst(%arg6 : memref<400xi32, #tpu.memory_space<vmem>>)
        %dma_start3A_142 = arith.constant 0 : i32
        %dma_start3A_143 = arith.constant 0 : i32
        %dma_start3A_144 = tpu.memref_slice %arg3[%dma_start3A_142, %dma_start3A_143] : memref<100000x64xf32, #tpu.memory_space<hbm>> -> memref<100000x64xf32, #tpu.memory_space<hbm>>
        tpu.enqueue_indirect_dma source(%dma_start3A_144 : memref<100000x64xf32, #tpu.memory_space<hbm>>) target(%arg8 : memref<400x64xf32, #tpu.memory_space<vmem>>) offsets(%arg6 : memref<400xi32, #tpu.memory_space<vmem>>) semaphore(%arg15 : memref<!tpu.dma_semaphore, #tpu.memory_space<semaphore_mem>>)
      } else {
      }
      %parallel_loop3A = arith.constant 0 : i32
      %parallel_loop3A_82 = arith.constant 50 : i32
      %parallel_loop3A_83 = arith.constant 1 : i32
      scf.for %parallel_loop3A_138 = %parallel_loop3A to %parallel_loop3A_82 step %parallel_loop3A_83  : i32 {
        %parallel_loop3A_139 = vector.broadcast %parallel_loop3A_138 : i32 to vector<16xi32>
        %parallel_loop3A_140 = arith.constant 0 : i32
        %parallel_loop3A_141 = arith.addi %parallel_loop3A_140, %parallel_loop3A_138 : i32
        %parallel_loop3A_142 = arith.index_cast %parallel_loop3A_141 : i32 to index
        %parallel_loop3A_143 = arith.constant 0 : index
        %parallel_loop3A_144 = tpu.vector_load %arg7[%parallel_loop3A_142, %parallel_loop3A_143] {strides = array<i32>} : memref<400x64xf32, #tpu.memory_space<vmem>>, vector<16xf32>,
        %parallel_loop3A_145 = arith.constant 0 : i32
        %parallel_loop3A_146 = arith.addi %parallel_loop3A_145, %parallel_loop3A_138 : i32
        %parallel_loop3A_147 = arith.index_cast %parallel_loop3A_146 : i32 to index
        %parallel_loop3A_148 = arith.constant 16 : index
        %parallel_loop3A_149 = tpu.vector_load %arg7[%parallel_loop3A_147, %parallel_loop3A_148] {strides = array<i32>} : memref<400x64xf32, #tpu.memory_space<vmem>>, vector<16xf32>,
        %parallel_loop3A_150 = arith.constant 0 : i32
        %parallel_loop3A_151 = arith.addi %parallel_loop3A_150, %parallel_loop3A_138 : i32
        %parallel_loop3A_152 = arith.index_cast %parallel_loop3A_151 : i32 to index
        %parallel_loop3A_153 = arith.constant 32 : index
        %parallel_loop3A_154 = tpu.vector_load %arg7[%parallel_loop3A_152, %parallel_loop3A_153] {strides = array<i32>} : memref<400x64xf32, #tpu.memory_space<vmem>>, vector<16xf32>,
        %parallel_loop3A_155 = arith.constant 0 : i32
        %parallel_loop3A_156 = arith.addi %parallel_loop3A_155, %parallel_loop3A_138 : i32
        %parallel_loop3A_157 = arith.index_cast %parallel_loop3A_156 : i32 to index
        %parallel_loop3A_158 = arith.constant 48 : index
        %parallel_loop3A_159 = tpu.vector_load %arg7[%parallel_loop3A_157, %parallel_loop3A_158] {strides = array<i32>} : memref<400x64xf32, #tpu.memory_space<vmem>>, vector<16xf32>,
        %parallel_loop3A_160 = arith.constant 50 : i32
        %parallel_loop3A_161 = arith.addi %parallel_loop3A_160, %parallel_loop3A_138 : i32
        %parallel_loop3A_162 = arith.index_cast %parallel_loop3A_161 : i32 to index
        %parallel_loop3A_163 = arith.constant 0 : index
        %parallel_loop3A_164 = tpu.vector_load %arg7[%parallel_loop3A_162, %parallel_loop3A_163] {strides = array<i32>} : memref<400x64xf32, #tpu.memory_space<vmem>>, vector<16xf32>,
        %parallel_loop3A_165 = arith.constant 50 : i32
        %parallel_loop3A_166 = arith.addi %parallel_loop3A_165, %parallel_loop3A_138 : i32
        %parallel_loop3A_167 = arith.index_cast %parallel_loop3A_166 : i32 to index
        %parallel_loop3A_168 = arith.constant 16 : index
        %parallel_loop3A_169 = tpu.vector_load %arg7[%parallel_loop3A_167, %parallel_loop3A_168] {strides = array<i32>} : memref<400x64xf32, #tpu.memory_space<vmem>>, vector<16xf32>,
        %parallel_loop3A_170 = arith.constant 50 : i32
        %parallel_loop3A_171 = arith.addi %parallel_loop3A_170, %parallel_loop3A_138 : i32
        %parallel_loop3A_172 = arith.index_cast %parallel_loop3A_171 : i32 to index
        %parallel_loop3A_173 = arith.constant 32 : index
        %parallel_loop3A_174 = tpu.vector_load %arg7[%parallel_loop3A_172, %parallel_loop3A_173] {strides = array<i32>} : memref<400x64xf32, #tpu.memory_space<vmem>>, vector<16xf32>,
        %parallel_loop3A_175 = arith.constant 50 : i32
        %parallel_loop3A_176 = arith.addi %parallel_loop3A_175, %parallel_loop3A_138 : i32
        %parallel_loop3A_177 = arith.index_cast %parallel_loop3A_176 : i32 to index
        %parallel_loop3A_178 = arith.constant 48 : index
        %parallel_loop3A_179 = tpu.vector_load %arg7[%parallel_loop3A_177, %parallel_loop3A_178] {strides = array<i32>} : memref<400x64xf32, #tpu.memory_space<vmem>>, vector<16xf32>,
        tpu.vector_store_idx %arg9[%parallel_loop3A_139, %add3A_1, %broadcast_in_dim3A_11], %parallel_loop3A_144 : memref<50x64x8xf32, #tpu.memory_space<vmem>>[vector<16xi32>, vector<16xi32>, vector<16xi32>], vector<16xf32>,
        tpu.vector_store_idx %arg9[%parallel_loop3A_139, %add3A_4, %broadcast_in_dim3A_11], %parallel_loop3A_149 : memref<50x64x8xf32, #tpu.memory_space<vmem>>[vector<16xi32>, vector<16xi32>, vector<16xi32>], vector<16xf32>,
        tpu.vector_store_idx %arg9[%parallel_loop3A_139, %add3A_7, %broadcast_in_dim3A_11], %parallel_loop3A_154 : memref<50x64x8xf32, #tpu.memory_space<vmem>>[vector<16xi32>, vector<16xi32>, vector<16xi32>], vector<16xf32>,
        tpu.vector_store_idx %arg9[%parallel_loop3A_139, %add3A_10, %broadcast_in_dim3A_11], %parallel_loop3A_159 : memref<50x64x8xf32, #tpu.memory_space<vmem>>[vector<16xi32>, vector<16xi32>, vector<16xi32>], vector<16xf32>,
        tpu.vector_store_idx %arg9[%parallel_loop3A_139, %add3A_1, %broadcast_in_dim3A_13], %parallel_loop3A_164 : memref<50x64x8xf32, #tpu.memory_space<vmem>>[vector<16xi32>, vector<16xi32>, vector<16xi32>], vector<16xf32>,
        tpu.vector_store_idx %arg9[%parallel_loop3A_139, %add3A_4, %broadcast_in_dim3A_13], %parallel_loop3A_169 : memref<50x64x8xf32, #tpu.memory_space<vmem>>[vector<16xi32>, vector<16xi32>, vector<16xi32>], vector<16xf32>,
        tpu.vector_store_idx %arg9[%parallel_loop3A_139, %add3A_7, %broadcast_in_dim3A_13], %parallel_loop3A_174 : memref<50x64x8xf32, #tpu.memory_space<vmem>>[vector<16xi32>, vector<16xi32>, vector<16xi32>], vector<16xf32>,
        tpu.vector_store_idx %arg9[%parallel_loop3A_139, %add3A_10, %broadcast_in_dim3A_13], %parallel_loop3A_179 : memref<50x64x8xf32, #tpu.memory_space<vmem>>[vector<16xi32>, vector<16xi32>, vector<16xi32>], vector<16xf32>,
        %parallel_loop3A_180 = arith.constant 100 : i32
        %parallel_loop3A_181 = arith.addi %parallel_loop3A_180, %parallel_loop3A_138 : i32
        %parallel_loop3A_182 = arith.index_cast %parallel_loop3A_181 : i32 to index
        %parallel_loop3A_183 = arith.constant 0 : index
        %parallel_loop3A_184 = tpu.vector_load %arg7[%parallel_loop3A_182, %parallel_loop3A_183] {strides = array<i32>} : memref<400x64xf32, #tpu.memory_space<vmem>>, vector<16xf32>,
        %parallel_loop3A_185 = arith.constant 100 : i32
        %parallel_loop3A_186 = arith.addi %parallel_loop3A_185, %parallel_loop3A_138 : i32
        %parallel_loop3A_187 = arith.index_cast %parallel_loop3A_186 : i32 to index
        %parallel_loop3A_188 = arith.constant 16 : index
        %parallel_loop3A_189 = tpu.vector_load %arg7[%parallel_loop3A_187, %parallel_loop3A_188] {strides = array<i32>} : memref<400x64xf32, #tpu.memory_space<vmem>>, vector<16xf32>,
        %parallel_loop3A_190 = arith.constant 100 : i32
        %parallel_loop3A_191 = arith.addi %parallel_loop3A_190, %parallel_loop3A_138 : i32
        %parallel_loop3A_192 = arith.index_cast %parallel_loop3A_191 : i32 to index
        %parallel_loop3A_193 = arith.constant 32 : index
        %parallel_loop3A_194 = tpu.vector_load %arg7[%parallel_loop3A_192, %parallel_loop3A_193] {strides = array<i32>} : memref<400x64xf32, #tpu.memory_space<vmem>>, vector<16xf32>,
        %parallel_loop3A_195 = arith.constant 100 : i32
        %parallel_loop3A_196 = arith.addi %parallel_loop3A_195, %parallel_loop3A_138 : i32
        %parallel_loop3A_197 = arith.index_cast %parallel_loop3A_196 : i32 to index
        %parallel_loop3A_198 = arith.constant 48 : index
        %parallel_loop3A_199 = tpu.vector_load %arg7[%parallel_loop3A_197, %parallel_loop3A_198] {strides = array<i32>} : memref<400x64xf32, #tpu.memory_space<vmem>>, vector<16xf32>,
        %parallel_loop3A_200 = arith.constant 150 : i32
        %parallel_loop3A_201 = arith.addi %parallel_loop3A_200, %parallel_loop3A_138 : i32
        %parallel_loop3A_202 = arith.index_cast %parallel_loop3A_201 : i32 to index
        %parallel_loop3A_203 = arith.constant 0 : index
        %parallel_loop3A_204 = tpu.vector_load %arg7[%parallel_loop3A_202, %parallel_loop3A_203] {strides = array<i32>} : memref<400x64xf32, #tpu.memory_space<vmem>>, vector<16xf32>,
        %parallel_loop3A_205 = arith.constant 150 : i32
        %parallel_loop3A_206 = arith.addi %parallel_loop3A_205, %parallel_loop3A_138 : i32
        %parallel_loop3A_207 = arith.index_cast %parallel_loop3A_206 : i32 to index
        %parallel_loop3A_208 = arith.constant 16 : index
        %parallel_loop3A_209 = tpu.vector_load %arg7[%parallel_loop3A_207, %parallel_loop3A_208] {strides = array<i32>} : memref<400x64xf32, #tpu.memory_space<vmem>>, vector<16xf32>,
        %parallel_loop3A_210 = arith.constant 150 : i32
        %parallel_loop3A_211 = arith.addi %parallel_loop3A_210, %parallel_loop3A_138 : i32
        %parallel_loop3A_212 = arith.index_cast %parallel_loop3A_211 : i32 to index
        %parallel_loop3A_213 = arith.constant 32 : index
        %parallel_loop3A_214 = tpu.vector_load %arg7[%parallel_loop3A_212, %parallel_loop3A_213] {strides = array<i32>} : memref<400x64xf32, #tpu.memory_space<vmem>>, vector<16xf32>,
        %parallel_loop3A_215 = arith.constant 150 : i32
        %parallel_loop3A_216 = arith.addi %parallel_loop3A_215, %parallel_loop3A_138 : i32
        %parallel_loop3A_217 = arith.index_cast %parallel_loop3A_216 : i32 to index
        %parallel_loop3A_218 = arith.constant 48 : index
        %parallel_loop3A_219 = tpu.vector_load %arg7[%parallel_loop3A_217, %parallel_loop3A_218] {strides = array<i32>} : memref<400x64xf32, #tpu.memory_space<vmem>>, vector<16xf32>,
        tpu.vector_store_idx %arg9[%parallel_loop3A_139, %add3A_1, %broadcast_in_dim3A_15], %parallel_loop3A_184 : memref<50x64x8xf32, #tpu.memory_space<vmem>>[vector<16xi32>, vector<16xi32>, vector<16xi32>], vector<16xf32>,
        tpu.vector_store_idx %arg9[%parallel_loop3A_139, %add3A_4, %broadcast_in_dim3A_15], %parallel_loop3A_189 : memref<50x64x8xf32, #tpu.memory_space<vmem>>[vector<16xi32>, vector<16xi32>, vector<16xi32>], vector<16xf32>,
        tpu.vector_store_idx %arg9[%parallel_loop3A_139, %add3A_7, %broadcast_in_dim3A_15], %parallel_loop3A_194 : memref<50x64x8xf32, #tpu.memory_space<vmem>>[vector<16xi32>, vector<16xi32>, vector<16xi32>], vector<16xf32>,
        tpu.vector_store_idx %arg9[%parallel_loop3A_139, %add3A_10, %broadcast_in_dim3A_15], %parallel_loop3A_199 : memref<50x64x8xf32, #tpu.memory_space<vmem>>[vector<16xi32>, vector<16xi32>, vector<16xi32>], vector<16xf32>,
        tpu.vector_store_idx %arg9[%parallel_loop3A_139, %add3A_1, %broadcast_in_dim3A_17], %parallel_loop3A_204 : memref<50x64x8xf32, #tpu.memory_space<vmem>>[vector<16xi32>, vector<16xi32>, vector<16xi32>], vector<16xf32>,
        tpu.vector_store_idx %arg9[%parallel_loop3A_139, %add3A_4, %broadcast_in_dim3A_17], %parallel_loop3A_209 : memref<50x64x8xf32, #tpu.memory_space<vmem>>[vector<16xi32>, vector<16xi32>, vector<16xi32>], vector<16xf32>,
        tpu.vector_store_idx %arg9[%parallel_loop3A_139, %add3A_7, %broadcast_in_dim3A_17], %parallel_loop3A_214 : memref<50x64x8xf32, #tpu.memory_space<vmem>>[vector<16xi32>, vector<16xi32>, vector<16xi32>], vector<16xf32>,
        tpu.vector_store_idx %arg9[%parallel_loop3A_139, %add3A_10, %broadcast_in_dim3A_17], %parallel_loop3A_219 : memref<50x64x8xf32, #tpu.memory_space<vmem>>[vector<16xi32>, vector<16xi32>, vector<16xi32>], vector<16xf32>,
        %parallel_loop3A_220 = arith.constant 200 : i32
        %parallel_loop3A_221 = arith.addi %parallel_loop3A_220, %parallel_loop3A_138 : i32
        %parallel_loop3A_222 = arith.index_cast %parallel_loop3A_221 : i32 to index
        %parallel_loop3A_223 = arith.constant 0 : index
        %parallel_loop3A_224 = tpu.vector_load %arg7[%parallel_loop3A_222, %parallel_loop3A_223] {strides = array<i32>} : memref<400x64xf32, #tpu.memory_space<vmem>>, vector<16xf32>,
        %parallel_loop3A_225 = arith.constant 200 : i32
        %parallel_loop3A_226 = arith.addi %parallel_loop3A_225, %parallel_loop3A_138 : i32
        %parallel_loop3A_227 = arith.index_cast %parallel_loop3A_226 : i32 to index
        %parallel_loop3A_228 = arith.constant 16 : index
        %parallel_loop3A_229 = tpu.vector_load %arg7[%parallel_loop3A_227, %parallel_loop3A_228] {strides = array<i32>} : memref<400x64xf32, #tpu.memory_space<vmem>>, vector<16xf32>,
        %parallel_loop3A_230 = arith.constant 200 : i32
        %parallel_loop3A_231 = arith.addi %parallel_loop3A_230, %parallel_loop3A_138 : i32
        %parallel_loop3A_232 = arith.index_cast %parallel_loop3A_231 : i32 to index
        %parallel_loop3A_233 = arith.constant 32 : index
        %parallel_loop3A_234 = tpu.vector_load %arg7[%parallel_loop3A_232, %parallel_loop3A_233] {strides = array<i32>} : memref<400x64xf32, #tpu.memory_space<vmem>>, vector<16xf32>,
        %parallel_loop3A_235 = arith.constant 200 : i32
        %parallel_loop3A_236 = arith.addi %parallel_loop3A_235, %parallel_loop3A_138 : i32
        %parallel_loop3A_237 = arith.index_cast %parallel_loop3A_236 : i32 to index
        %parallel_loop3A_238 = arith.constant 48 : index
        %parallel_loop3A_239 = tpu.vector_load %arg7[%parallel_loop3A_237, %parallel_loop3A_238] {strides = array<i32>} : memref<400x64xf32, #tpu.memory_space<vmem>>, vector<16xf32>,
        %parallel_loop3A_240 = arith.constant 250 : i32
        %parallel_loop3A_241 = arith.addi %parallel_loop3A_240, %parallel_loop3A_138 : i32
        %parallel_loop3A_242 = arith.index_cast %parallel_loop3A_241 : i32 to index
        %parallel_loop3A_243 = arith.constant 0 : index
        %parallel_loop3A_244 = tpu.vector_load %arg7[%parallel_loop3A_242, %parallel_loop3A_243] {strides = array<i32>} : memref<400x64xf32, #tpu.memory_space<vmem>>, vector<16xf32>,
        %parallel_loop3A_245 = arith.constant 250 : i32
        %parallel_loop3A_246 = arith.addi %parallel_loop3A_245, %parallel_loop3A_138 : i32
        %parallel_loop3A_247 = arith.index_cast %parallel_loop3A_246 : i32 to index
        %parallel_loop3A_248 = arith.constant 16 : index
        %parallel_loop3A_249 = tpu.vector_load %arg7[%parallel_loop3A_247, %parallel_loop3A_248] {strides = array<i32>} : memref<400x64xf32, #tpu.memory_space<vmem>>, vector<16xf32>,
        %parallel_loop3A_250 = arith.constant 250 : i32
        %parallel_loop3A_251 = arith.addi %parallel_loop3A_250, %parallel_loop3A_138 : i32
        %parallel_loop3A_252 = arith.index_cast %parallel_loop3A_251 : i32 to index
        %parallel_loop3A_253 = arith.constant 32 : index
        %parallel_loop3A_254 = tpu.vector_load %arg7[%parallel_loop3A_252, %parallel_loop3A_253] {strides = array<i32>} : memref<400x64xf32, #tpu.memory_space<vmem>>, vector<16xf32>,
        %parallel_loop3A_255 = arith.constant 250 : i32
        %parallel_loop3A_256 = arith.addi %parallel_loop3A_255, %parallel_loop3A_138 : i32
        %parallel_loop3A_257 = arith.index_cast %parallel_loop3A_256 : i32 to index
        %parallel_loop3A_258 = arith.constant 48 : index
        %parallel_loop3A_259 = tpu.vector_load %arg7[%parallel_loop3A_257, %parallel_loop3A_258] {strides = array<i32>} : memref<400x64xf32, #tpu.memory_space<vmem>>, vector<16xf32>,
        tpu.vector_store_idx %arg9[%parallel_loop3A_139, %add3A_1, %broadcast_in_dim3A_19], %parallel_loop3A_224 : memref<50x64x8xf32, #tpu.memory_space<vmem>>[vector<16xi32>, vector<16xi32>, vector<16xi32>], vector<16xf32>,
        tpu.vector_store_idx %arg9[%parallel_loop3A_139, %add3A_4, %broadcast_in_dim3A_19], %parallel_loop3A_229 : memref<50x64x8xf32, #tpu.memory_space<vmem>>[vector<16xi32>, vector<16xi32>, vector<16xi32>], vector<16xf32>,
        tpu.vector_store_idx %arg9[%parallel_loop3A_139, %add3A_7, %broadcast_in_dim3A_19], %parallel_loop3A_234 : memref<50x64x8xf32, #tpu.memory_space<vmem>>[vector<16xi32>, vector<16xi32>, vector<16xi32>], vector<16xf32>,
        tpu.vector_store_idx %arg9[%parallel_loop3A_139, %add3A_10, %broadcast_in_dim3A_19], %parallel_loop3A_239 : memref<50x64x8xf32, #tpu.memory_space<vmem>>[vector<16xi32>, vector<16xi32>, vector<16xi32>], vector<16xf32>,
        tpu.vector_store_idx %arg9[%parallel_loop3A_139, %add3A_1, %broadcast_in_dim3A_21], %parallel_loop3A_244 : memref<50x64x8xf32, #tpu.memory_space<vmem>>[vector<16xi32>, vector<16xi32>, vector<16xi32>], vector<16xf32>,
        tpu.vector_store_idx %arg9[%parallel_loop3A_139, %add3A_4, %broadcast_in_dim3A_21], %parallel_loop3A_249 : memref<50x64x8xf32, #tpu.memory_space<vmem>>[vector<16xi32>, vector<16xi32>, vector<16xi32>], vector<16xf32>,
        tpu.vector_store_idx %arg9[%parallel_loop3A_139, %add3A_7, %broadcast_in_dim3A_21], %parallel_loop3A_254 : memref<50x64x8xf32, #tpu.memory_space<vmem>>[vector<16xi32>, vector<16xi32>, vector<16xi32>], vector<16xf32>,
        tpu.vector_store_idx %arg9[%parallel_loop3A_139, %add3A_10, %broadcast_in_dim3A_21], %parallel_loop3A_259 : memref<50x64x8xf32, #tpu.memory_space<vmem>>[vector<16xi32>, vector<16xi32>, vector<16xi32>], vector<16xf32>,
        %parallel_loop3A_260 = arith.constant 300 : i32
        %parallel_loop3A_261 = arith.addi %parallel_loop3A_260, %parallel_loop3A_138 : i32
        %parallel_loop3A_262 = arith.index_cast %parallel_loop3A_261 : i32 to index
        %parallel_loop3A_263 = arith.constant 0 : index
        %parallel_loop3A_264 = tpu.vector_load %arg7[%parallel_loop3A_262, %parallel_loop3A_263] {strides = array<i32>} : memref<400x64xf32, #tpu.memory_space<vmem>>, vector<16xf32>,
        %parallel_loop3A_265 = arith.constant 300 : i32
        %parallel_loop3A_266 = arith.addi %parallel_loop3A_265, %parallel_loop3A_138 : i32
        %parallel_loop3A_267 = arith.index_cast %parallel_loop3A_266 : i32 to index
        %parallel_loop3A_268 = arith.constant 16 : index
        %parallel_loop3A_269 = tpu.vector_load %arg7[%parallel_loop3A_267, %parallel_loop3A_268] {strides = array<i32>} : memref<400x64xf32, #tpu.memory_space<vmem>>, vector<16xf32>,
        %parallel_loop3A_270 = arith.constant 300 : i32
        %parallel_loop3A_271 = arith.addi %parallel_loop3A_270, %parallel_loop3A_138 : i32
        %parallel_loop3A_272 = arith.index_cast %parallel_loop3A_271 : i32 to index
        %parallel_loop3A_273 = arith.constant 32 : index
        %parallel_loop3A_274 = tpu.vector_load %arg7[%parallel_loop3A_272, %parallel_loop3A_273] {strides = array<i32>} : memref<400x64xf32, #tpu.memory_space<vmem>>, vector<16xf32>,
        %parallel_loop3A_275 = arith.constant 300 : i32
        %parallel_loop3A_276 = arith.addi %parallel_loop3A_275, %parallel_loop3A_138 : i32
        %parallel_loop3A_277 = arith.index_cast %parallel_loop3A_276 : i32 to index
        %parallel_loop3A_278 = arith.constant 48 : index
        %parallel_loop3A_279 = tpu.vector_load %arg7[%parallel_loop3A_277, %parallel_loop3A_278] {strides = array<i32>} : memref<400x64xf32, #tpu.memory_space<vmem>>, vector<16xf32>,
        %parallel_loop3A_280 = arith.constant 350 : i32
        %parallel_loop3A_281 = arith.addi %parallel_loop3A_280, %parallel_loop3A_138 : i32
        %parallel_loop3A_282 = arith.index_cast %parallel_loop3A_281 : i32 to index
        %parallel_loop3A_283 = arith.constant 0 : index
        %parallel_loop3A_284 = tpu.vector_load %arg7[%parallel_loop3A_282, %parallel_loop3A_283] {strides = array<i32>} : memref<400x64xf32, #tpu.memory_space<vmem>>, vector<16xf32>,
        %parallel_loop3A_285 = arith.constant 350 : i32
        %parallel_loop3A_286 = arith.addi %parallel_loop3A_285, %parallel_loop3A_138 : i32
        %parallel_loop3A_287 = arith.index_cast %parallel_loop3A_286 : i32 to index
        %parallel_loop3A_288 = arith.constant 16 : index
        %parallel_loop3A_289 = tpu.vector_load %arg7[%parallel_loop3A_287, %parallel_loop3A_288] {strides = array<i32>} : memref<400x64xf32, #tpu.memory_space<vmem>>, vector<16xf32>,
        %parallel_loop3A_290 = arith.constant 350 : i32
        %parallel_loop3A_291 = arith.addi %parallel_loop3A_290, %parallel_loop3A_138 : i32
        %parallel_loop3A_292 = arith.index_cast %parallel_loop3A_291 : i32 to index
        %parallel_loop3A_293 = arith.constant 32 : index
        %parallel_loop3A_294 = tpu.vector_load %arg7[%parallel_loop3A_292, %parallel_loop3A_293] {strides = array<i32>} : memref<400x64xf32, #tpu.memory_space<vmem>>, vector<16xf32>,
        %parallel_loop3A_295 = arith.constant 350 : i32
        %parallel_loop3A_296 = arith.addi %parallel_loop3A_295, %parallel_loop3A_138 : i32
        %parallel_loop3A_297 = arith.index_cast %parallel_loop3A_296 : i32 to index
        %parallel_loop3A_298 = arith.constant 48 : index
        %parallel_loop3A_299 = tpu.vector_load %arg7[%parallel_loop3A_297, %parallel_loop3A_298] {strides = array<i32>} : memref<400x64xf32, #tpu.memory_space<vmem>>, vector<16xf32>,
        tpu.vector_store_idx %arg9[%parallel_loop3A_139, %add3A_1, %broadcast_in_dim3A_23], %parallel_loop3A_264 : memref<50x64x8xf32, #tpu.memory_space<vmem>>[vector<16xi32>, vector<16xi32>, vector<16xi32>], vector<16xf32>,
        tpu.vector_store_idx %arg9[%parallel_loop3A_139, %add3A_4, %broadcast_in_dim3A_23], %parallel_loop3A_269 : memref<50x64x8xf32, #tpu.memory_space<vmem>>[vector<16xi32>, vector<16xi32>, vector<16xi32>], vector<16xf32>,
        tpu.vector_store_idx %arg9[%parallel_loop3A_139, %add3A_7, %broadcast_in_dim3A_23], %parallel_loop3A_274 : memref<50x64x8xf32, #tpu.memory_space<vmem>>[vector<16xi32>, vector<16xi32>, vector<16xi32>], vector<16xf32>,
        tpu.vector_store_idx %arg9[%parallel_loop3A_139, %add3A_10, %broadcast_in_dim3A_23], %parallel_loop3A_279 : memref<50x64x8xf32, #tpu.memory_space<vmem>>[vector<16xi32>, vector<16xi32>, vector<16xi32>], vector<16xf32>,
        tpu.vector_store_idx %arg9[%parallel_loop3A_139, %add3A_1, %broadcast_in_dim3A_25], %parallel_loop3A_284 : memref<50x64x8xf32, #tpu.memory_space<vmem>>[vector<16xi32>, vector<16xi32>, vector<16xi32>], vector<16xf32>,
        tpu.vector_store_idx %arg9[%parallel_loop3A_139, %add3A_4, %broadcast_in_dim3A_25], %parallel_loop3A_289 : memref<50x64x8xf32, #tpu.memory_space<vmem>>[vector<16xi32>, vector<16xi32>, vector<16xi32>], vector<16xf32>,
        tpu.vector_store_idx %arg9[%parallel_loop3A_139, %add3A_7, %broadcast_in_dim3A_25], %parallel_loop3A_294 : memref<50x64x8xf32, #tpu.memory_space<vmem>>[vector<16xi32>, vector<16xi32>, vector<16xi32>], vector<16xf32>,
        tpu.vector_store_idx %arg9[%parallel_loop3A_139, %add3A_10, %broadcast_in_dim3A_25], %parallel_loop3A_299 : memref<50x64x8xf32, #tpu.memory_space<vmem>>[vector<16xi32>, vector<16xi32>, vector<16xi32>], vector<16xf32>,
      } {sc.loop_unroll_factor = 1 : i64, sc.parallel_access}
      %eq3A_84 = arith.constant 0 : i32
      %eq3A_85 = arith.cmpi eq, %arg1, %eq3A_84 : i32
      %ge3A = arith.constant 2 : i32
      %ge3A_86 = arith.cmpi sge, %add3A_65, %ge3A : i32
      %and3A = arith.andi %eq3A_85, %ge3A_86 : i1
      %convert_element_type3A_87 = arith.extui %and3A : i1 to i32
      %cond3A_88 = arith.constant 0 : i32
      %cond3A_89 = arith.cmpi ne, %convert_element_type3A_87, %cond3A_88 : i32
      scf.if %cond3A_89 {
        %dma_wait3A_138 = arith.constant 0 : i32
        %dma_wait3A_139 = arith.constant 0 : i32
        %dma_wait3A_140 = arith.constant 0 : i32
        %dma_wait3A_141 = tpu.memref_slice %arg4[%dma_wait3A_138, %dma_wait3A_139, %dma_wait3A_140] : memref<50x64x16384xf32, #tpu.memory_space<hbm>> -> memref<50x64x128xf32, #tpu.memory_space<hbm>>
        tpu.wait_dma2 semaphore(%arg16 : memref<!tpu.dma_semaphore, #tpu.memory_space<semaphore_mem>>) src(%arg10 : memref<50x64x128xf32, #tpu.memory_space<vmem_shared>>) dst(%dma_wait3A_141 : memref<50x64x128xf32, #tpu.memory_space<hbm>>)
      } else {
      }
      %barrier3A_90 = arith.constant 0 : index
      tpu.barrier barrier_id(%barrier3A_90)
      %mul3A_91 = arith.constant 8 : i32
      %mul3A_92 = arith.muli %arg1, %mul3A_91 : i32
      "tpu.region"() ({
        %run_scoped3A = tpu.sem_alloc : memref<!tpu.dma_semaphore, #tpu.memory_space<semaphore_mem>>
        %dma_start3A_138 = arith.constant 0 : i32
        %dma_start3A_139 = arith.constant 0 : i32
        %dma_start3A_140 = tpu.memref_slice %arg10[%dma_start3A_138, %dma_start3A_139, %mul3A_92] : memref<50x64x128xf32, #tpu.memory_space<vmem_shared>> -> memref<50x64x8xf32, #tpu.memory_space<vmem_shared>>
        %dma_start3A_141 = arith.constant 0 : i32
        %dma_start3A_142 = arith.constant 0 : i32
        %dma_start3A_143 = tpu.memref_slice %arg10[%dma_start3A_141, %dma_start3A_142, %mul3A_92] : memref<50x64x128xf32, #tpu.memory_space<vmem_shared>> -> memref<50x64x8xf32, #tpu.memory_space<vmem_shared>>
        tpu.enqueue_dma source(%arg9 : memref<50x64x8xf32, #tpu.memory_space<vmem>>) target(%dma_start3A_143 : memref<50x64x8xf32, #tpu.memory_space<vmem_shared>>) target_semaphore(%run_scoped3A : memref<!tpu.dma_semaphore, #tpu.memory_space<semaphore_mem>>)
        %dma_wait3A_144 = arith.constant 0 : i32
        %dma_wait3A_145 = arith.constant 0 : i32
        %dma_wait3A_146 = tpu.memref_slice %arg10[%dma_wait3A_144, %dma_wait3A_145, %mul3A_92] : memref<50x64x128xf32, #tpu.memory_space<vmem_shared>> -> memref<50x64x8xf32, #tpu.memory_space<vmem_shared>>
        %dma_wait3A_147 = arith.constant 0 : i32
        %dma_wait3A_148 = arith.constant 0 : i32
        %dma_wait3A_149 = tpu.memref_slice %arg10[%dma_wait3A_147, %dma_wait3A_148, %mul3A_92] : memref<50x64x128xf32, #tpu.memory_space<vmem_shared>> -> memref<50x64x8xf32, #tpu.memory_space<vmem_shared>>
        tpu.wait_dma2 semaphore(%run_scoped3A : memref<!tpu.dma_semaphore, #tpu.memory_space<semaphore_mem>>) src(%arg9 : memref<50x64x8xf32, #tpu.memory_space<vmem>>) dst(%dma_wait3A_149 : memref<50x64x8xf32, #tpu.memory_space<vmem_shared>>)
        tpu.yield
      }) : () -> ()
      %barrier3A_93 = arith.constant 0 : index
      tpu.barrier barrier_id(%barrier3A_93)
      %eq3A_94 = arith.constant 0 : i32
      %eq3A_95 = arith.cmpi eq, %arg1, %eq3A_94 : i32
      %convert_element_type3A_96 = arith.extui %eq3A_95 : i1 to i32
      %cond3A_97 = arith.constant 0 : i32
      %cond3A_98 = arith.cmpi ne, %convert_element_type3A_96, %cond3A_97 : i32
      scf.if %cond3A_98 {
        %mul3A_138 = arith.constant 8192 : i32
        %mul3A_139 = arith.muli %arg0, %mul3A_138 : i32
        %mul3A_140 = arith.constant 128 : i32
        %mul3A_141 = arith.muli %add3A_65, %mul3A_140 : i32
        %add3A_142 = arith.addi %mul3A_139, %mul3A_141 : i32
        %multiple_of3A_143 = tpu.assume_multiple %add3A_142, 128 : i32
        %dma_start3A_144 = arith.constant 0 : i32
        %dma_start3A_145 = arith.constant 0 : i32
        %dma_start3A_146 = tpu.memref_slice %arg4[%dma_start3A_144, %dma_start3A_145, %multiple_of3A_143] : memref<50x64x16384xf32, #tpu.memory_space<hbm>> -> memref<50x64x128xf32, #tpu.memory_space<hbm>>
        tpu.enqueue_dma source(%arg10 : memref<50x64x128xf32, #tpu.memory_space<vmem_shared>>) target(%dma_start3A_146 : memref<50x64x128xf32, #tpu.memory_space<hbm>>) target_semaphore(%arg16 : memref<!tpu.dma_semaphore, #tpu.memory_space<semaphore_mem>>)
      } else {
      }
      %add3A_99 = arith.constant 1 : i32
      %add3A_100 = arith.addi %add3A_63, %add3A_99 : i32
      %dma_wait3A_101 = arith.constant 0 : i32
      %dma_wait3A_102 = arith.constant 0 : i32
      %dma_wait3A_103 = tpu.memref_slice %arg3[%dma_wait3A_101, %dma_wait3A_102] : memref<100000x64xf32, #tpu.memory_space<hbm>> -> memref<100000x64xf32, #tpu.memory_space<hbm>>
      tpu.wait_indirect_dma semaphore(%arg15 : memref<!tpu.dma_semaphore, #tpu.memory_space<semaphore_mem>>) src(%dma_wait3A_103 : memref<100000x64xf32, #tpu.memory_space<hbm>>) dst(%arg8 : memref<400x64xf32, #tpu.memory_space<vmem>>)
      %add3A_104 = arith.constant 2 : i32
      %add3A_105 = arith.addi %add3A_100, %add3A_104 : i32
      %lt3A_106 = arith.constant 64 : i32
      %lt3A_107 = arith.cmpi slt, %add3A_105, %lt3A_106 : i32
      %convert_element_type3A_108 = arith.extui %lt3A_107 : i1 to i32
      %cond3A_109 = arith.constant 0 : i32
      %cond3A_110 = arith.cmpi ne, %convert_element_type3A_108, %cond3A_109 : i32
      scf.if %cond3A_110 {
        %add3A_138 = arith.constant 2 : i32
        %add3A_139 = arith.addi %add3A_100, %add3A_138 : i32
        %mul3A_140 = arith.constant 8192 : i32
        %mul3A_141 = arith.muli %arg0, %mul3A_140 : i32
        %mul3A_142 = arith.constant 128 : i32
        %mul3A_143 = arith.muli %add3A_139, %mul3A_142 : i32
        %add3A_144 = arith.addi %mul3A_141, %mul3A_143 : i32
        %mul3A_145 = arith.constant 8 : i32
        %mul3A_146 = arith.muli %arg1, %mul3A_145 : i32
        %add3A_147 = arith.addi %add3A_144, %mul3A_146 : i32
        %mul3A_148 = arith.constant 50 : i32
        %mul3A_149 = arith.muli %add3A_147, %mul3A_148 : i32
        %multiple_of3A_150 = tpu.assume_multiple %mul3A_149, 400 : i32
        %dma_start3A_151 = tpu.memref_slice %arg2[%multiple_of3A_150] : memref<819200xi32, #tpu.memory_space<hbm>> -> memref<400xi32, #tpu.memory_space<hbm>>
        %dma_start3A_152 = tpu.memref_slice %arg2[%multiple_of3A_150] : memref<819200xi32, #tpu.memory_space<hbm>> -> memref<400xi32, #tpu.memory_space<hbm>>
        tpu.enqueue_dma source(%dma_start3A_152 : memref<400xi32, #tpu.memory_space<hbm>>) target(%arg6 : memref<400xi32, #tpu.memory_space<vmem>>) target_semaphore(%arg13 : memref<!tpu.dma_semaphore, #tpu.memory_space<semaphore_mem>>)
      } else {
      }
      %add3A_111 = arith.constant 1 : i32
      %add3A_112 = arith.addi %add3A_100, %add3A_111 : i32
      %lt3A_113 = arith.constant 64 : i32
      %lt3A_114 = arith.cmpi slt, %add3A_112, %lt3A_113 : i32
      %convert_element_type3A_115 = arith.extui %lt3A_114 : i1 to i32
      %cond3A_116 = arith.constant 0 : i32
      %cond3A_117 = arith.cmpi ne, %convert_element_type3A_115, %cond3A_116 : i32
      scf.if %cond3A_117 {
        %dma_wait3A_138 = arith.constant 0 : i32
        %dma_wait3A_139 = tpu.memref_slice %arg2[%dma_wait3A_138] : memref<819200xi32, #tpu.memory_space<hbm>> -> memref<400xi32, #tpu.memory_space<hbm>>
        %dma_wait3A_140 = arith.constant 0 : i32
        %dma_wait3A_141 = tpu.memref_slice %arg2[%dma_wait3A_140] : memref<819200xi32, #tpu.memory_space<hbm>> -> memref<400xi32, #tpu.memory_space<hbm>>
        tpu.wait_dma2 semaphore(%arg12 : memref<!tpu.dma_semaphore, #tpu.memory_space<semaphore_mem>>) src(%dma_wait3A_141 : memref<400xi32, #tpu.memory_space<hbm>>) dst(%arg5 : memref<400xi32, #tpu.memory_space<vmem>>)
        %dma_start3A_142 = arith.constant 0 : i32
        %dma_start3A_143 = arith.constant 0 : i32
        %dma_start3A_144 = tpu.memref_slice %arg3[%dma_start3A_142, %dma_start3A_143] : memref<100000x64xf32, #tpu.memory_space<hbm>> -> memref<100000x64xf32, #tpu.memory_space<hbm>>
        tpu.enqueue_indirect_dma source(%dma_start3A_144 : memref<100000x64xf32, #tpu.memory_space<hbm>>) target(%arg7 : memref<400x64xf32, #tpu.memory_space<vmem>>) offsets(%arg5 : memref<400xi32, #tpu.memory_space<vmem>>) semaphore(%arg14 : memref<!tpu.dma_semaphore, #tpu.memory_space<semaphore_mem>>)
      } else {
      }
      %parallel_loop3A_118 = arith.constant 0 : i32
      %parallel_loop3A_119 = arith.constant 50 : i32
      %parallel_loop3A_120 = arith.constant 1 : i32
      scf.for %parallel_loop3A_138 = %parallel_loop3A_118 to %parallel_loop3A_119 step %parallel_loop3A_120  : i32 {
        %parallel_loop3A_139 = vector.broadcast %parallel_loop3A_138 : i32 to vector<16xi32>
        %parallel_loop3A_140 = arith.constant 0 : i32
        %parallel_loop3A_141 = arith.addi %parallel_loop3A_140, %parallel_loop3A_138 : i32
        %parallel_loop3A_142 = arith.index_cast %parallel_loop3A_141 : i32 to index
        %parallel_loop3A_143 = arith.constant 0 : index
        %parallel_loop3A_144 = tpu.vector_load %arg8[%parallel_loop3A_142, %parallel_loop3A_143] {strides = array<i32>} : memref<400x64xf32, #tpu.memory_space<vmem>>, vector<16xf32>,
        %parallel_loop3A_145 = arith.constant 0 : i32
        %parallel_loop3A_146 = arith.addi %parallel_loop3A_145, %parallel_loop3A_138 : i32
        %parallel_loop3A_147 = arith.index_cast %parallel_loop3A_146 : i32 to index
        %parallel_loop3A_148 = arith.constant 16 : index
        %parallel_loop3A_149 = tpu.vector_load %arg8[%parallel_loop3A_147, %parallel_loop3A_148] {strides = array<i32>} : memref<400x64xf32, #tpu.memory_space<vmem>>, vector<16xf32>,
        %parallel_loop3A_150 = arith.constant 0 : i32
        %parallel_loop3A_151 = arith.addi %parallel_loop3A_150, %parallel_loop3A_138 : i32
        %parallel_loop3A_152 = arith.index_cast %parallel_loop3A_151 : i32 to index
        %parallel_loop3A_153 = arith.constant 32 : index
        %parallel_loop3A_154 = tpu.vector_load %arg8[%parallel_loop3A_152, %parallel_loop3A_153] {strides = array<i32>} : memref<400x64xf32, #tpu.memory_space<vmem>>, vector<16xf32>,
        %parallel_loop3A_155 = arith.constant 0 : i32
        %parallel_loop3A_156 = arith.addi %parallel_loop3A_155, %parallel_loop3A_138 : i32
        %parallel_loop3A_157 = arith.index_cast %parallel_loop3A_156 : i32 to index
        %parallel_loop3A_158 = arith.constant 48 : index
        %parallel_loop3A_159 = tpu.vector_load %arg8[%parallel_loop3A_157, %parallel_loop3A_158] {strides = array<i32>} : memref<400x64xf32, #tpu.memory_space<vmem>>, vector<16xf32>,
        %parallel_loop3A_160 = arith.constant 50 : i32
        %parallel_loop3A_161 = arith.addi %parallel_loop3A_160, %parallel_loop3A_138 : i32
        %parallel_loop3A_162 = arith.index_cast %parallel_loop3A_161 : i32 to index
        %parallel_loop3A_163 = arith.constant 0 : index
        %parallel_loop3A_164 = tpu.vector_load %arg8[%parallel_loop3A_162, %parallel_loop3A_163] {strides = array<i32>} : memref<400x64xf32, #tpu.memory_space<vmem>>, vector<16xf32>,
        %parallel_loop3A_165 = arith.constant 50 : i32
        %parallel_loop3A_166 = arith.addi %parallel_loop3A_165, %parallel_loop3A_138 : i32
        %parallel_loop3A_167 = arith.index_cast %parallel_loop3A_166 : i32 to index
        %parallel_loop3A_168 = arith.constant 16 : index
        %parallel_loop3A_169 = tpu.vector_load %arg8[%parallel_loop3A_167, %parallel_loop3A_168] {strides = array<i32>} : memref<400x64xf32, #tpu.memory_space<vmem>>, vector<16xf32>,
        %parallel_loop3A_170 = arith.constant 50 : i32
        %parallel_loop3A_171 = arith.addi %parallel_loop3A_170, %parallel_loop3A_138 : i32
        %parallel_loop3A_172 = arith.index_cast %parallel_loop3A_171 : i32 to index
        %parallel_loop3A_173 = arith.constant 32 : index
        %parallel_loop3A_174 = tpu.vector_load %arg8[%parallel_loop3A_172, %parallel_loop3A_173] {strides = array<i32>} : memref<400x64xf32, #tpu.memory_space<vmem>>, vector<16xf32>,
        %parallel_loop3A_175 = arith.constant 50 : i32
        %parallel_loop3A_176 = arith.addi %parallel_loop3A_175, %parallel_loop3A_138 : i32
        %parallel_loop3A_177 = arith.index_cast %parallel_loop3A_176 : i32 to index
        %parallel_loop3A_178 = arith.constant 48 : index
        %parallel_loop3A_179 = tpu.vector_load %arg8[%parallel_loop3A_177, %parallel_loop3A_178] {strides = array<i32>} : memref<400x64xf32, #tpu.memory_space<vmem>>, vector<16xf32>,
        tpu.vector_store_idx %arg9[%parallel_loop3A_139, %add3A_1, %broadcast_in_dim3A_11], %parallel_loop3A_144 : memref<50x64x8xf32, #tpu.memory_space<vmem>>[vector<16xi32>, vector<16xi32>, vector<16xi32>], vector<16xf32>,
        tpu.vector_store_idx %arg9[%parallel_loop3A_139, %add3A_4, %broadcast_in_dim3A_11], %parallel_loop3A_149 : memref<50x64x8xf32, #tpu.memory_space<vmem>>[vector<16xi32>, vector<16xi32>, vector<16xi32>], vector<16xf32>,
        tpu.vector_store_idx %arg9[%parallel_loop3A_139, %add3A_7, %broadcast_in_dim3A_11], %parallel_loop3A_154 : memref<50x64x8xf32, #tpu.memory_space<vmem>>[vector<16xi32>, vector<16xi32>, vector<16xi32>], vector<16xf32>,
        tpu.vector_store_idx %arg9[%parallel_loop3A_139, %add3A_10, %broadcast_in_dim3A_11], %parallel_loop3A_159 : memref<50x64x8xf32, #tpu.memory_space<vmem>>[vector<16xi32>, vector<16xi32>, vector<16xi32>], vector<16xf32>,
        tpu.vector_store_idx %arg9[%parallel_loop3A_139, %add3A_1, %broadcast_in_dim3A_13], %parallel_loop3A_164 : memref<50x64x8xf32, #tpu.memory_space<vmem>>[vector<16xi32>, vector<16xi32>, vector<16xi32>], vector<16xf32>,
        tpu.vector_store_idx %arg9[%parallel_loop3A_139, %add3A_4, %broadcast_in_dim3A_13], %parallel_loop3A_169 : memref<50x64x8xf32, #tpu.memory_space<vmem>>[vector<16xi32>, vector<16xi32>, vector<16xi32>], vector<16xf32>,
        tpu.vector_store_idx %arg9[%parallel_loop3A_139, %add3A_7, %broadcast_in_dim3A_13], %parallel_loop3A_174 : memref<50x64x8xf32, #tpu.memory_space<vmem>>[vector<16xi32>, vector<16xi32>, vector<16xi32>], vector<16xf32>,
        tpu.vector_store_idx %arg9[%parallel_loop3A_139, %add3A_10, %broadcast_in_dim3A_13], %parallel_loop3A_179 : memref<50x64x8xf32, #tpu.memory_space<vmem>>[vector<16xi32>, vector<16xi32>, vector<16xi32>], vector<16xf32>,
        %parallel_loop3A_180 = arith.constant 100 : i32
        %parallel_loop3A_181 = arith.addi %parallel_loop3A_180, %parallel_loop3A_138 : i32
        %parallel_loop3A_182 = arith.index_cast %parallel_loop3A_181 : i32 to index
        %parallel_loop3A_183 = arith.constant 0 : index
        %parallel_loop3A_184 = tpu.vector_load %arg8[%parallel_loop3A_182, %parallel_loop3A_183] {strides = array<i32>} : memref<400x64xf32, #tpu.memory_space<vmem>>, vector<16xf32>,
        %parallel_loop3A_185 = arith.constant 100 : i32
        %parallel_loop3A_186 = arith.addi %parallel_loop3A_185, %parallel_loop3A_138 : i32
        %parallel_loop3A_187 = arith.index_cast %parallel_loop3A_186 : i32 to index
        %parallel_loop3A_188 = arith.constant 16 : index
        %parallel_loop3A_189 = tpu.vector_load %arg8[%parallel_loop3A_187, %parallel_loop3A_188] {strides = array<i32>} : memref<400x64xf32, #tpu.memory_space<vmem>>, vector<16xf32>,
        %parallel_loop3A_190 = arith.constant 100 : i32
        %parallel_loop3A_191 = arith.addi %parallel_loop3A_190, %parallel_loop3A_138 : i32
        %parallel_loop3A_192 = arith.index_cast %parallel_loop3A_191 : i32 to index
        %parallel_loop3A_193 = arith.constant 32 : index
        %parallel_loop3A_194 = tpu.vector_load %arg8[%parallel_loop3A_192, %parallel_loop3A_193] {strides = array<i32>} : memref<400x64xf32, #tpu.memory_space<vmem>>, vector<16xf32>,
        %parallel_loop3A_195 = arith.constant 100 : i32
        %parallel_loop3A_196 = arith.addi %parallel_loop3A_195, %parallel_loop3A_138 : i32
        %parallel_loop3A_197 = arith.index_cast %parallel_loop3A_196 : i32 to index
        %parallel_loop3A_198 = arith.constant 48 : index
        %parallel_loop3A_199 = tpu.vector_load %arg8[%parallel_loop3A_197, %parallel_loop3A_198] {strides = array<i32>} : memref<400x64xf32, #tpu.memory_space<vmem>>, vector<16xf32>,
        %parallel_loop3A_200 = arith.constant 150 : i32
        %parallel_loop3A_201 = arith.addi %parallel_loop3A_200, %parallel_loop3A_138 : i32
        %parallel_loop3A_202 = arith.index_cast %parallel_loop3A_201 : i32 to index
        %parallel_loop3A_203 = arith.constant 0 : index
        %parallel_loop3A_204 = tpu.vector_load %arg8[%parallel_loop3A_202, %parallel_loop3A_203] {strides = array<i32>} : memref<400x64xf32, #tpu.memory_space<vmem>>, vector<16xf32>,
        %parallel_loop3A_205 = arith.constant 150 : i32
        %parallel_loop3A_206 = arith.addi %parallel_loop3A_205, %parallel_loop3A_138 : i32
        %parallel_loop3A_207 = arith.index_cast %parallel_loop3A_206 : i32 to index
        %parallel_loop3A_208 = arith.constant 16 : index
        %parallel_loop3A_209 = tpu.vector_load %arg8[%parallel_loop3A_207, %parallel_loop3A_208] {strides = array<i32>} : memref<400x64xf32, #tpu.memory_space<vmem>>, vector<16xf32>,
        %parallel_loop3A_210 = arith.constant 150 : i32
        %parallel_loop3A_211 = arith.addi %parallel_loop3A_210, %parallel_loop3A_138 : i32
        %parallel_loop3A_212 = arith.index_cast %parallel_loop3A_211 : i32 to index
        %parallel_loop3A_213 = arith.constant 32 : index
        %parallel_loop3A_214 = tpu.vector_load %arg8[%parallel_loop3A_212, %parallel_loop3A_213] {strides = array<i32>} : memref<400x64xf32, #tpu.memory_space<vmem>>, vector<16xf32>,
        %parallel_loop3A_215 = arith.constant 150 : i32
        %parallel_loop3A_216 = arith.addi %parallel_loop3A_215, %parallel_loop3A_138 : i32
        %parallel_loop3A_217 = arith.index_cast %parallel_loop3A_216 : i32 to index
        %parallel_loop3A_218 = arith.constant 48 : index
        %parallel_loop3A_219 = tpu.vector_load %arg8[%parallel_loop3A_217, %parallel_loop3A_218] {strides = array<i32>} : memref<400x64xf32, #tpu.memory_space<vmem>>, vector<16xf32>,
        tpu.vector_store_idx %arg9[%parallel_loop3A_139, %add3A_1, %broadcast_in_dim3A_15], %parallel_loop3A_184 : memref<50x64x8xf32, #tpu.memory_space<vmem>>[vector<16xi32>, vector<16xi32>, vector<16xi32>], vector<16xf32>,
        tpu.vector_store_idx %arg9[%parallel_loop3A_139, %add3A_4, %broadcast_in_dim3A_15], %parallel_loop3A_189 : memref<50x64x8xf32, #tpu.memory_space<vmem>>[vector<16xi32>, vector<16xi32>, vector<16xi32>], vector<16xf32>,
        tpu.vector_store_idx %arg9[%parallel_loop3A_139, %add3A_7, %broadcast_in_dim3A_15], %parallel_loop3A_194 : memref<50x64x8xf32, #tpu.memory_space<vmem>>[vector<16xi32>, vector<16xi32>, vector<16xi32>], vector<16xf32>,
        tpu.vector_store_idx %arg9[%parallel_loop3A_139, %add3A_10, %broadcast_in_dim3A_15], %parallel_loop3A_199 : memref<50x64x8xf32, #tpu.memory_space<vmem>>[vector<16xi32>, vector<16xi32>, vector<16xi32>], vector<16xf32>,
        tpu.vector_store_idx %arg9[%parallel_loop3A_139, %add3A_1, %broadcast_in_dim3A_17], %parallel_loop3A_204 : memref<50x64x8xf32, #tpu.memory_space<vmem>>[vector<16xi32>, vector<16xi32>, vector<16xi32>], vector<16xf32>,
        tpu.vector_store_idx %arg9[%parallel_loop3A_139, %add3A_4, %broadcast_in_dim3A_17], %parallel_loop3A_209 : memref<50x64x8xf32, #tpu.memory_space<vmem>>[vector<16xi32>, vector<16xi32>, vector<16xi32>], vector<16xf32>,
        tpu.vector_store_idx %arg9[%parallel_loop3A_139, %add3A_7, %broadcast_in_dim3A_17], %parallel_loop3A_214 : memref<50x64x8xf32, #tpu.memory_space<vmem>>[vector<16xi32>, vector<16xi32>, vector<16xi32>], vector<16xf32>,
        tpu.vector_store_idx %arg9[%parallel_loop3A_139, %add3A_10, %broadcast_in_dim3A_17], %parallel_loop3A_219 : memref<50x64x8xf32, #tpu.memory_space<vmem>>[vector<16xi32>, vector<16xi32>, vector<16xi32>], vector<16xf32>,
        %parallel_loop3A_220 = arith.constant 200 : i32
        %parallel_loop3A_221 = arith.addi %parallel_loop3A_220, %parallel_loop3A_138 : i32
        %parallel_loop3A_222 = arith.index_cast %parallel_loop3A_221 : i32 to index
        %parallel_loop3A_223 = arith.constant 0 : index
        %parallel_loop3A_224 = tpu.vector_load %arg8[%parallel_loop3A_222, %parallel_loop3A_223] {strides = array<i32>} : memref<400x64xf32, #tpu.memory_space<vmem>>, vector<16xf32>,
        %parallel_loop3A_225 = arith.constant 200 : i32
        %parallel_loop3A_226 = arith.addi %parallel_loop3A_225, %parallel_loop3A_138 : i32
        %parallel_loop3A_227 = arith.index_cast %parallel_loop3A_226 : i32 to index
        %parallel_loop3A_228 = arith.constant 16 : index
        %parallel_loop3A_229 = tpu.vector_load %arg8[%parallel_loop3A_227, %parallel_loop3A_228] {strides = array<i32>} : memref<400x64xf32, #tpu.memory_space<vmem>>, vector<16xf32>,
        %parallel_loop3A_230 = arith.constant 200 : i32
        %parallel_loop3A_231 = arith.addi %parallel_loop3A_230, %parallel_loop3A_138 : i32
        %parallel_loop3A_232 = arith.index_cast %parallel_loop3A_231 : i32 to index
        %parallel_loop3A_233 = arith.constant 32 : index
        %parallel_loop3A_234 = tpu.vector_load %arg8[%parallel_loop3A_232, %parallel_loop3A_233] {strides = array<i32>} : memref<400x64xf32, #tpu.memory_space<vmem>>, vector<16xf32>,
        %parallel_loop3A_235 = arith.constant 200 : i32
        %parallel_loop3A_236 = arith.addi %parallel_loop3A_235, %parallel_loop3A_138 : i32
        %parallel_loop3A_237 = arith.index_cast %parallel_loop3A_236 : i32 to index
        %parallel_loop3A_238 = arith.constant 48 : index
        %parallel_loop3A_239 = tpu.vector_load %arg8[%parallel_loop3A_237, %parallel_loop3A_238] {strides = array<i32>} : memref<400x64xf32, #tpu.memory_space<vmem>>, vector<16xf32>,
        %parallel_loop3A_240 = arith.constant 250 : i32
        %parallel_loop3A_241 = arith.addi %parallel_loop3A_240, %parallel_loop3A_138 : i32
        %parallel_loop3A_242 = arith.index_cast %parallel_loop3A_241 : i32 to index
        %parallel_loop3A_243 = arith.constant 0 : index
        %parallel_loop3A_244 = tpu.vector_load %arg8[%parallel_loop3A_242, %parallel_loop3A_243] {strides = array<i32>} : memref<400x64xf32, #tpu.memory_space<vmem>>, vector<16xf32>,
        %parallel_loop3A_245 = arith.constant 250 : i32
        %parallel_loop3A_246 = arith.addi %parallel_loop3A_245, %parallel_loop3A_138 : i32
        %parallel_loop3A_247 = arith.index_cast %parallel_loop3A_246 : i32 to index
        %parallel_loop3A_248 = arith.constant 16 : index
        %parallel_loop3A_249 = tpu.vector_load %arg8[%parallel_loop3A_247, %parallel_loop3A_248] {strides = array<i32>} : memref<400x64xf32, #tpu.memory_space<vmem>>, vector<16xf32>,
        %parallel_loop3A_250 = arith.constant 250 : i32
        %parallel_loop3A_251 = arith.addi %parallel_loop3A_250, %parallel_loop3A_138 : i32
        %parallel_loop3A_252 = arith.index_cast %parallel_loop3A_251 : i32 to index
        %parallel_loop3A_253 = arith.constant 32 : index
        %parallel_loop3A_254 = tpu.vector_load %arg8[%parallel_loop3A_252, %parallel_loop3A_253] {strides = array<i32>} : memref<400x64xf32, #tpu.memory_space<vmem>>, vector<16xf32>,
        %parallel_loop3A_255 = arith.constant 250 : i32
        %parallel_loop3A_256 = arith.addi %parallel_loop3A_255, %parallel_loop3A_138 : i32
        %parallel_loop3A_257 = arith.index_cast %parallel_loop3A_256 : i32 to index
        %parallel_loop3A_258 = arith.constant 48 : index
        %parallel_loop3A_259 = tpu.vector_load %arg8[%parallel_loop3A_257, %parallel_loop3A_258] {strides = array<i32>} : memref<400x64xf32, #tpu.memory_space<vmem>>, vector<16xf32>,
        tpu.vector_store_idx %arg9[%parallel_loop3A_139, %add3A_1, %broadcast_in_dim3A_19], %parallel_loop3A_224 : memref<50x64x8xf32, #tpu.memory_space<vmem>>[vector<16xi32>, vector<16xi32>, vector<16xi32>], vector<16xf32>,
        tpu.vector_store_idx %arg9[%parallel_loop3A_139, %add3A_4, %broadcast_in_dim3A_19], %parallel_loop3A_229 : memref<50x64x8xf32, #tpu.memory_space<vmem>>[vector<16xi32>, vector<16xi32>, vector<16xi32>], vector<16xf32>,
        tpu.vector_store_idx %arg9[%parallel_loop3A_139, %add3A_7, %broadcast_in_dim3A_19], %parallel_loop3A_234 : memref<50x64x8xf32, #tpu.memory_space<vmem>>[vector<16xi32>, vector<16xi32>, vector<16xi32>], vector<16xf32>,
        tpu.vector_store_idx %arg9[%parallel_loop3A_139, %add3A_10, %broadcast_in_dim3A_19], %parallel_loop3A_239 : memref<50x64x8xf32, #tpu.memory_space<vmem>>[vector<16xi32>, vector<16xi32>, vector<16xi32>], vector<16xf32>,
        tpu.vector_store_idx %arg9[%parallel_loop3A_139, %add3A_1, %broadcast_in_dim3A_21], %parallel_loop3A_244 : memref<50x64x8xf32, #tpu.memory_space<vmem>>[vector<16xi32>, vector<16xi32>, vector<16xi32>], vector<16xf32>,
        tpu.vector_store_idx %arg9[%parallel_loop3A_139, %add3A_4, %broadcast_in_dim3A_21], %parallel_loop3A_249 : memref<50x64x8xf32, #tpu.memory_space<vmem>>[vector<16xi32>, vector<16xi32>, vector<16xi32>], vector<16xf32>,
        tpu.vector_store_idx %arg9[%parallel_loop3A_139, %add3A_7, %broadcast_in_dim3A_21], %parallel_loop3A_254 : memref<50x64x8xf32, #tpu.memory_space<vmem>>[vector<16xi32>, vector<16xi32>, vector<16xi32>], vector<16xf32>,
        tpu.vector_store_idx %arg9[%parallel_loop3A_139, %add3A_10, %broadcast_in_dim3A_21], %parallel_loop3A_259 : memref<50x64x8xf32, #tpu.memory_space<vmem>>[vector<16xi32>, vector<16xi32>, vector<16xi32>], vector<16xf32>,
        %parallel_loop3A_260 = arith.constant 300 : i32
        %parallel_loop3A_261 = arith.addi %parallel_loop3A_260, %parallel_loop3A_138 : i32
        %parallel_loop3A_262 = arith.index_cast %parallel_loop3A_261 : i32 to index
        %parallel_loop3A_263 = arith.constant 0 : index
        %parallel_loop3A_264 = tpu.vector_load %arg8[%parallel_loop3A_262, %parallel_loop3A_263] {strides = array<i32>} : memref<400x64xf32, #tpu.memory_space<vmem>>, vector<16xf32>,
        %parallel_loop3A_265 = arith.constant 300 : i32
        %parallel_loop3A_266 = arith.addi %parallel_loop3A_265, %parallel_loop3A_138 : i32
        %parallel_loop3A_267 = arith.index_cast %parallel_loop3A_266 : i32 to index
        %parallel_loop3A_268 = arith.constant 16 : index
        %parallel_loop3A_269 = tpu.vector_load %arg8[%parallel_loop3A_267, %parallel_loop3A_268] {strides = array<i32>} : memref<400x64xf32, #tpu.memory_space<vmem>>, vector<16xf32>,
        %parallel_loop3A_270 = arith.constant 300 : i32
        %parallel_loop3A_271 = arith.addi %parallel_loop3A_270, %parallel_loop3A_138 : i32
        %parallel_loop3A_272 = arith.index_cast %parallel_loop3A_271 : i32 to index
        %parallel_loop3A_273 = arith.constant 32 : index
        %parallel_loop3A_274 = tpu.vector_load %arg8[%parallel_loop3A_272, %parallel_loop3A_273] {strides = array<i32>} : memref<400x64xf32, #tpu.memory_space<vmem>>, vector<16xf32>,
        %parallel_loop3A_275 = arith.constant 300 : i32
        %parallel_loop3A_276 = arith.addi %parallel_loop3A_275, %parallel_loop3A_138 : i32
        %parallel_loop3A_277 = arith.index_cast %parallel_loop3A_276 : i32 to index
        %parallel_loop3A_278 = arith.constant 48 : index
        %parallel_loop3A_279 = tpu.vector_load %arg8[%parallel_loop3A_277, %parallel_loop3A_278] {strides = array<i32>} : memref<400x64xf32, #tpu.memory_space<vmem>>, vector<16xf32>,
        %parallel_loop3A_280 = arith.constant 350 : i32
        %parallel_loop3A_281 = arith.addi %parallel_loop3A_280, %parallel_loop3A_138 : i32
        %parallel_loop3A_282 = arith.index_cast %parallel_loop3A_281 : i32 to index
        %parallel_loop3A_283 = arith.constant 0 : index
        %parallel_loop3A_284 = tpu.vector_load %arg8[%parallel_loop3A_282, %parallel_loop3A_283] {strides = array<i32>} : memref<400x64xf32, #tpu.memory_space<vmem>>, vector<16xf32>,
        %parallel_loop3A_285 = arith.constant 350 : i32
        %parallel_loop3A_286 = arith.addi %parallel_loop3A_285, %parallel_loop3A_138 : i32
        %parallel_loop3A_287 = arith.index_cast %parallel_loop3A_286 : i32 to index
        %parallel_loop3A_288 = arith.constant 16 : index
        %parallel_loop3A_289 = tpu.vector_load %arg8[%parallel_loop3A_287, %parallel_loop3A_288] {strides = array<i32>} : memref<400x64xf32, #tpu.memory_space<vmem>>, vector<16xf32>,
        %parallel_loop3A_290 = arith.constant 350 : i32
        %parallel_loop3A_291 = arith.addi %parallel_loop3A_290, %parallel_loop3A_138 : i32
        %parallel_loop3A_292 = arith.index_cast %parallel_loop3A_291 : i32 to index
        %parallel_loop3A_293 = arith.constant 32 : index
        %parallel_loop3A_294 = tpu.vector_load %arg8[%parallel_loop3A_292, %parallel_loop3A_293] {strides = array<i32>} : memref<400x64xf32, #tpu.memory_space<vmem>>, vector<16xf32>,
        %parallel_loop3A_295 = arith.constant 350 : i32
        %parallel_loop3A_296 = arith.addi %parallel_loop3A_295, %parallel_loop3A_138 : i32
        %parallel_loop3A_297 = arith.index_cast %parallel_loop3A_296 : i32 to index
        %parallel_loop3A_298 = arith.constant 48 : index
        %parallel_loop3A_299 = tpu.vector_load %arg8[%parallel_loop3A_297, %parallel_loop3A_298] {strides = array<i32>} : memref<400x64xf32, #tpu.memory_space<vmem>>, vector<16xf32>,
        tpu.vector_store_idx %arg9[%parallel_loop3A_139, %add3A_1, %broadcast_in_dim3A_23], %parallel_loop3A_264 : memref<50x64x8xf32, #tpu.memory_space<vmem>>[vector<16xi32>, vector<16xi32>, vector<16xi32>], vector<16xf32>,
        tpu.vector_store_idx %arg9[%parallel_loop3A_139, %add3A_4, %broadcast_in_dim3A_23], %parallel_loop3A_269 : memref<50x64x8xf32, #tpu.memory_space<vmem>>[vector<16xi32>, vector<16xi32>, vector<16xi32>], vector<16xf32>,
        tpu.vector_store_idx %arg9[%parallel_loop3A_139, %add3A_7, %broadcast_in_dim3A_23], %parallel_loop3A_274 : memref<50x64x8xf32, #tpu.memory_space<vmem>>[vector<16xi32>, vector<16xi32>, vector<16xi32>], vector<16xf32>,
        tpu.vector_store_idx %arg9[%parallel_loop3A_139, %add3A_10, %broadcast_in_dim3A_23], %parallel_loop3A_279 : memref<50x64x8xf32, #tpu.memory_space<vmem>>[vector<16xi32>, vector<16xi32>, vector<16xi32>], vector<16xf32>,
        tpu.vector_store_idx %arg9[%parallel_loop3A_139, %add3A_1, %broadcast_in_dim3A_25], %parallel_loop3A_284 : memref<50x64x8xf32, #tpu.memory_space<vmem>>[vector<16xi32>, vector<16xi32>, vector<16xi32>], vector<16xf32>,
        tpu.vector_store_idx %arg9[%parallel_loop3A_139, %add3A_4, %broadcast_in_dim3A_25], %parallel_loop3A_289 : memref<50x64x8xf32, #tpu.memory_space<vmem>>[vector<16xi32>, vector<16xi32>, vector<16xi32>], vector<16xf32>,
        tpu.vector_store_idx %arg9[%parallel_loop3A_139, %add3A_7, %broadcast_in_dim3A_25], %parallel_loop3A_294 : memref<50x64x8xf32, #tpu.memory_space<vmem>>[vector<16xi32>, vector<16xi32>, vector<16xi32>], vector<16xf32>,
        tpu.vector_store_idx %arg9[%parallel_loop3A_139, %add3A_10, %broadcast_in_dim3A_25], %parallel_loop3A_299 : memref<50x64x8xf32, #tpu.memory_space<vmem>>[vector<16xi32>, vector<16xi32>, vector<16xi32>], vector<16xf32>,
      } {sc.loop_unroll_factor = 1 : i64, sc.parallel_access}
      %eq3A_121 = arith.constant 0 : i32
      %eq3A_122 = arith.cmpi eq, %arg1, %eq3A_121 : i32
      %ge3A_123 = arith.constant 2 : i32
      %ge3A_124 = arith.cmpi sge, %add3A_100, %ge3A_123 : i32
      %and3A_125 = arith.andi %eq3A_122, %ge3A_124 : i1
      %convert_element_type3A_126 = arith.extui %and3A_125 : i1 to i32
      %cond3A_127 = arith.constant 0 : i32
      %cond3A_128 = arith.cmpi ne, %convert_element_type3A_126, %cond3A_127 : i32
      scf.if %cond3A_128 {
        %dma_wait3A_138 = arith.constant 0 : i32
        %dma_wait3A_139 = arith.constant 0 : i32
        %dma_wait3A_140 = arith.constant 0 : i32
        %dma_wait3A_141 = tpu.memref_slice %arg4[%dma_wait3A_138, %dma_wait3A_139, %dma_wait3A_140] : memref<50x64x16384xf32, #tpu.memory_space<hbm>> -> memref<50x64x128xf32, #tpu.memory_space<hbm>>
        tpu.wait_dma2 semaphore(%arg17 : memref<!tpu.dma_semaphore, #tpu.memory_space<semaphore_mem>>) src(%arg11 : memref<50x64x128xf32, #tpu.memory_space<vmem_shared>>) dst(%dma_wait3A_141 : memref<50x64x128xf32, #tpu.memory_space<hbm>>)
      } else {
      }
      %barrier3A_129 = arith.constant 0 : index
      tpu.barrier barrier_id(%barrier3A_129)
      %mul3A_130 = arith.constant 8 : i32
      %mul3A_131 = arith.muli %arg1, %mul3A_130 : i32
      "tpu.region"() ({
        %run_scoped3A = tpu.sem_alloc : memref<!tpu.dma_semaphore, #tpu.memory_space<semaphore_mem>>
        %dma_start3A_138 = arith.constant 0 : i32
        %dma_start3A_139 = arith.constant 0 : i32
        %dma_start3A_140 = tpu.memref_slice %arg11[%dma_start3A_138, %dma_start3A_139, %mul3A_131] : memref<50x64x128xf32, #tpu.memory_space<vmem_shared>> -> memref<50x64x8xf32, #tpu.memory_space<vmem_shared>>
        %dma_start3A_141 = arith.constant 0 : i32
        %dma_start3A_142 = arith.constant 0 : i32
        %dma_start3A_143 = tpu.memref_slice %arg11[%dma_start3A_141, %dma_start3A_142, %mul3A_131] : memref<50x64x128xf32, #tpu.memory_space<vmem_shared>> -> memref<50x64x8xf32, #tpu.memory_space<vmem_shared>>
        tpu.enqueue_dma source(%arg9 : memref<50x64x8xf32, #tpu.memory_space<vmem>>) target(%dma_start3A_143 : memref<50x64x8xf32, #tpu.memory_space<vmem_shared>>) target_semaphore(%run_scoped3A : memref<!tpu.dma_semaphore, #tpu.memory_space<semaphore_mem>>)
        %dma_wait3A_144 = arith.constant 0 : i32
        %dma_wait3A_145 = arith.constant 0 : i32
        %dma_wait3A_146 = tpu.memref_slice %arg11[%dma_wait3A_144, %dma_wait3A_145, %mul3A_131] : memref<50x64x128xf32, #tpu.memory_space<vmem_shared>> -> memref<50x64x8xf32, #tpu.memory_space<vmem_shared>>
        %dma_wait3A_147 = arith.constant 0 : i32
        %dma_wait3A_148 = arith.constant 0 : i32
        %dma_wait3A_149 = tpu.memref_slice %arg11[%dma_wait3A_147, %dma_wait3A_148, %mul3A_131] : memref<50x64x128xf32, #tpu.memory_space<vmem_shared>> -> memref<50x64x8xf32, #tpu.memory_space<vmem_shared>>
        tpu.wait_dma2 semaphore(%run_scoped3A : memref<!tpu.dma_semaphore, #tpu.memory_space<semaphore_mem>>) src(%arg9 : memref<50x64x8xf32, #tpu.memory_space<vmem>>) dst(%dma_wait3A_149 : memref<50x64x8xf32, #tpu.memory_space<vmem_shared>>)
        tpu.yield
      }) : () -> ()
      %barrier3A_132 = arith.constant 0 : index
      tpu.barrier barrier_id(%barrier3A_132)
      %eq3A_133 = arith.constant 0 : i32
      %eq3A_134 = arith.cmpi eq, %arg1, %eq3A_133 : i32
      %convert_element_type3A_135 = arith.extui %eq3A_134 : i1 to i32
      %cond3A_136 = arith.constant 0 : i32
      %cond3A_137 = arith.cmpi ne, %convert_element_type3A_135, %cond3A_136 : i32
      scf.if %cond3A_137 {
        %mul3A_138 = arith.constant 8192 : i32
        %mul3A_139 = arith.muli %arg0, %mul3A_138 : i32
        %mul3A_140 = arith.constant 128 : i32
        %mul3A_141 = arith.muli %add3A_100, %mul3A_140 : i32
        %add3A_142 = arith.addi %mul3A_139, %mul3A_141 : i32
        %multiple_of3A_143 = tpu.assume_multiple %add3A_142, 128 : i32
        %dma_start3A_144 = arith.constant 0 : i32
        %dma_start3A_145 = arith.constant 0 : i32
        %dma_start3A_146 = tpu.memref_slice %arg4[%dma_start3A_144, %dma_start3A_145, %multiple_of3A_143] : memref<50x64x16384xf32, #tpu.memory_space<hbm>> -> memref<50x64x128xf32, #tpu.memory_space<hbm>>
        tpu.enqueue_dma source(%arg11 : memref<50x64x128xf32, #tpu.memory_space<vmem_shared>>) target(%dma_start3A_146 : memref<50x64x128xf32, #tpu.memory_space<hbm>>) target_semaphore(%arg17 : memref<!tpu.dma_semaphore, #tpu.memory_space<semaphore_mem>>)
      } else {
      }
    }
    %scan3A_56 = arith.constant 32 : i32
    %eq3A = arith.constant 0 : i32
    %eq3A_57 = arith.cmpi eq, %arg1, %eq3A : i32
    %convert_element_type3A = arith.extui %eq3A_57 : i1 to i32
    %cond3A = arith.constant 0 : i32
    %cond3A_58 = arith.cmpi ne, %convert_element_type3A, %cond3A : i32
    scf.if %cond3A_58 {
      %dma_wait3A_59 = arith.constant 0 : i32
      %dma_wait3A_60 = arith.constant 0 : i32
      %dma_wait3A_61 = arith.constant 0 : i32
      %dma_wait3A_62 = tpu.memref_slice %arg4[%dma_wait3A_59, %dma_wait3A_60, %dma_wait3A_61] : memref<50x64x16384xf32, #tpu.memory_space<hbm>> -> memref<50x64x128xf32, #tpu.memory_space<hbm>>
      tpu.wait_dma2 semaphore(%arg16 : memref<!tpu.dma_semaphore, #tpu.memory_space<semaphore_mem>>) src(%arg10 : memref<50x64x128xf32, #tpu.memory_space<vmem_shared>>) dst(%dma_wait3A_62 : memref<50x64x128xf32, #tpu.memory_space<hbm>>)
      %dma_wait3A_63 = arith.constant 0 : i32
      %dma_wait3A_64 = arith.constant 0 : i32
      %dma_wait3A_65 = arith.constant 0 : i32
      %dma_wait3A_66 = tpu.memref_slice %arg4[%dma_wait3A_63, %dma_wait3A_64, %dma_wait3A_65] : memref<50x64x16384xf32, #tpu.memory_space<hbm>> -> memref<50x64x128xf32, #tpu.memory_space<hbm>>
      tpu.wait_dma2 semaphore(%arg17 : memref<!tpu.dma_semaphore, #tpu.memory_space<semaphore_mem>>) src(%arg11 : memref<50x64x128xf32, #tpu.memory_space<vmem_shared>>) dst(%dma_wait3A_66 : memref<50x64x128xf32, #tpu.memory_space<hbm>>)
    } else {
    }
    %barrier3A = arith.constant 0 : index
    tpu.barrier barrier_id(%barrier3A)
    return
  }
}

</mosaic_0001>

<sc_bundles>
// kernel: kernel.3.cloned.1.call-start
scs
__scs_entry_jumppad:
0x0: {  	(pc) =	sbr.rel $0x88, $3  }
0x1: {  	(tag) =	ssettag $0x0;
	lr =	simm.s32 $0x1  }
0x2: {  	[smem:$0x3F9F] =	sst lr;
	_ =	strace $0xD0000000  }
0x3: {  	_ = 	snop  }
0x4: {  	_ = 	snop  }
0x5: {  	_ = 	snop  }
0x6: {  	_ = 	snop  }
0x7: {  	_ = 	snop  }
__scs_overlays_trampoline_lowered:
0x8: {  	[smem:$0x3FAE] =	sst s0  }
0x9: {  	[smem:$0x3FAF] =	sst s1  }
0xa: {  	[smem:$0x3FB0] =	sst s2  }
0xb: {  	[smem:$0x3FB1] =	sst s3  }
0xc: {  	[smem:$0x3FB2] =	sst s4  }
0xd: {  	[smem:$0x3FB3] =	sst s5  }
0xe: {  	[smem:$0x3FB4] =	sst s6  }
0xf: {  	[smem:$0x3FB5] =	sst s7  }
0x10: {  	[smem:$0x3FB6] =	sst s8  }
0x11: {  	[smem:$0x3FB7] =	sst s9;
	s0 =	simm.s32 @!p0 $0x0  }
0x12: {  	s1 =	sld [smem:$0x3F9D];
	s0 =	simm.s32 @p0 $0x1  }
0x13: {  	[smem:$0x3FB8] =	sst s0;
	s0 =	simm.s32 @!p1 $0x0  }
0x14: {  	s2 =	sld [smem:$0x3F9C];
	s0 =	simm.s32 @p1 $0x1  }
0x15: {  	[smem:$0x3FB9] =	sst s0;
	s0 =	simm.s32 @!p2 $0x0  }
0x16: {  	s3 =	sld [smem:$0x3FDB];
	s0 =	simm.s32 @p2 $0x1  }
0x17: {  	s4 =	simm.s32 $0x1BF5;
	[smem:$0x3FBB] =	sst s0  }
0x18: {  	s0 =	sld [smem:$0x3F9E];
	_ =	swait.ge [sflag:s4], $0x0  }
0x19: {  	s7 =	sld [smem:$0x3F9F]  }
0x1a: {  	s8 =	sadd.s32 $0xFFFFE003, lr  }
0x1b: {  	s9 =	sadd.s32 $0xFFFFFEF7, lr;
	s5 =	simm.s32 $0xFFFFFFFF;
	p2 =	slt.u32 s8, $0xFFFFF086  }
0x1c: {  	p1 =	slt.u32 s9, $0xF7A;
	s5 =	simm.s32 @!p2 $0x0  }
0x1d: {  	s5 =	simm.s32 @p1 $0x1;
	p0 =	seq.s32 s7, s2  }
0x1e: {  	s7 =	smul.u32 @!p0 $0xF7A, s2;
	p2 =	seq.s32 @!p0 s5, $0x0  }
0x1f: {  	s9 =	smul.u32 $0xF7A, s1;
	s8 =	simm.s32 @!p0 $0x1BF5;
	p2 =	por !p2, p0  }
0x20: {  	[sflag:s8] =	ssyncset.s32 @!p0 $0xFFFFF086;
	s6 =	sadd.s32 @!p0 s3, s7;
	s7 =	simm.s32 @!p0 $0x108  }
0x21: {  	s3 =	sadd.s32 s3, s9;
	s6 =	sadd.s32 @!p0 $0x88, s6;
	s7 =	simm.s32 @p2 $0x1082  }
0x22: {  	[simem:s7], [sflag:s8] =	dma.local @!p0 [hbm:s6], $0xF7A  }
0x23: {  	s9 =	sor.u32 $0xD0000000, s2;
	s6 =	simm.s32 $0x108;
	_ =	swait.ge @!p0 [sflag:s8], $0x0  }
0x24: {  	s3 =	sadd.s32 $0x88, s3;
	s6 =	simm.s32 @!p1 $0x1082;
	[sflag:s4] =	ssyncset.s32 $0xFFFFF086  }
0x25: {  	[simem:s6], [sflag:s4] =	dma.local [hbm:s3], $0xF7A  }
0x26: {  	[smem:$0x3F9F] =	sst s1;
	(tag) =	ssettag s2;
	_ =	strace s9  }
0x27: {  	s1 =	sld [smem:$0x3FAF]  }
0x28: {  	s2 =	sld [smem:$0x3FB0]  }
0x29: {  	s4 =	sld [smem:$0x3FB2]  }
0x2a: {  	p0 =	seq.s32 s5, $0x0;
	s5 =	sld [smem:$0x3FB3]  }
0x2b: {  	s6 =	sld [smem:$0x3FB4]  }
0x2c: {  	s7 =	sld [smem:$0x3FB5]  }
0x2d: {  	s3 =	simm.s32 $0x108;
	s8 =	sld [smem:$0x3FB6]  }
0x2e: {  	s3 =	simm.s32 @!p0 $0x1082;
	s9 =	sld [smem:$0x3FB7]  }
0x2f: {  	lr =	sadd.s32 s0, s3;
	s0 =	sld [smem:$0x3FAE]  }
0x30: {  	s3 =	sld [smem:$0x3FB1]  }
0x31: {  	[smem:$0x3FBA] =	sst s10  }
0x32: {  	s10 =	sld [smem:$0x3FB8];
	_ =	sdelay $0x3  }
0x33: {  	p0 =	seq.s32 s10, $0x1;
	s10 =	sld [smem:$0x3FBA];
	_ =	sdelay $0x3  }
0x34: {  	[smem:$0x3FBA] =	sst s10  }
0x35: {  	s10 =	sld [smem:$0x3FB9];
	_ =	sdelay $0x3  }
0x36: {  	p1 =	seq.s32 s10, $0x1;
	s10 =	sld [smem:$0x3FBA];
	_ =	sdelay $0x3  }
0x37: {  	[smem:$0x3FBA] =	sst s10  }
0x38: {  	s10 =	sld [smem:$0x3FBB]  }
0x39: {  	_ = 	snop;
	(pc) =	sbr.ind lr, $3  }
0x3a: {  	_ = 	snop  }
0x3b: {  	_ = 	snop  }
0x3c: {  	p2 =	seq.s32 s10, $0x1;
	s10 =	sld [smem:$0x3FBA]  }
0x3d: {  	_ =	shalt  }
0x3e: {  	_ =	shalt  }
0x3f: {  	_ =	shalt  }
0x40: {  	_ =	shalt  }
0x41: {  	_ =	shalt  }
0x42: {  	_ =	shalt  }
0x43: {  	_ =	shalt  }
0x44: {  	_ =	shalt  }
0x45: {  	_ =	shalt  }
0x46: {  	_ =	shalt  }
0x47: {  	_ =	shalt  }
0x48: {  	_ =	shalt  }
0x49: {  	_ =	shalt  }
0x4a: {  	_ =	shalt  }
0x4b: {  	_ =	shalt  }
0x4c: {  	_ =	shalt  }
0x4d: {  	_ =	shalt  }
0x4e: {  	_ =	shalt  }
0x4f: {  	_ =	shalt  }
0x50: {  	_ =	shalt  }
0x51: {  	_ =	shalt  }
0x52: {  	_ =	shalt  }
0x53: {  	_ =	shalt  }
0x54: {  	_ =	shalt  }
0x55: {  	_ =	shalt  }
0x56: {  	_ =	shalt  }
0x57: {  	_ =	shalt  }
0x58: {  	_ =	shalt  }
0x59: {  	_ =	shalt  }
0x5a: {  	_ =	shalt  }
0x5b: {  	_ =	shalt  }
0x5c: {  	_ =	shalt  }
0x5d: {  	_ =	shalt  }
0x5e: {  	_ =	shalt  }
0x5f: {  	_ =	shalt  }
0x60: {  	_ =	shalt  }
0x61: {  	_ =	shalt  }
0x62: {  	_ =	shalt  }
0x63: {  	_ =	shalt  }
0x64: {  	_ =	shalt  }
0x65: {  	_ =	shalt  }
0x66: {  	_ =	shalt  }
0x67: {  	_ =	shalt  }
0x68: {  	_ =	shalt  }
0x69: {  	_ =	shalt  }
0x6a: {  	_ =	shalt  }
0x6b: {  	_ =	shalt  }
0x6c: {  	_ =	shalt  }
0x6d: {  	_ =	shalt  }
0x6e: {  	_ =	shalt  }
0x6f: {  	_ =	shalt  }
0x70: {  	_ =	shalt  }
0x71: {  	_ =	shalt  }
0x72: {  	_ =	shalt  }
0x73: {  	_ =	shalt  }
0x74: {  	_ =	shalt  }
0x75: {  	_ =	shalt  }
0x76: {  	_ =	shalt  }
0x77: {  	_ =	shalt  }
0x78: {  	_ =	shalt  }
0x79: {  	_ =	shalt  }
0x7a: {  	_ =	shalt  }
0x7b: {  	_ =	shalt  }
0x7c: {  	_ =	shalt  }
0x7d: {  	_ =	shalt  }
0x7e: {  	_ =	shalt  }
0x7f: {  	_ =	shalt  }
0x80: {  	_ =	shalt  }
0x81: {  	_ =	shalt  }
0x82: {  	_ =	shalt  }
0x83: {  	_ =	shalt  }
0x84: {  	_ =	shalt  }
0x85: {  	_ =	shalt  }
0x86: {  	_ =	shalt  }
0x87: {  	_ =	shalt  }
.Lfunc_end0:
.L_simem_size_0:
called_computation_lowered:
.L_overlay_start_0:
0x88: {  	s2 =	sld [smem:$0x3FD9]  }
0x89: {  	s3 =	sld [smem:$0x3FFE];
	_ =	sdelay $0x1  }
0x8a: {  	s1 =	srdreg.scid  }
0x8b: {  	s0 =	sand.u32 $0x1, s1  }
0x8c: {  	s16 =	sshll.u32 s0, $0xA;
	s2 =	sadd.s32 s3, s2  }
0x8d: {  	s2 =	sadd.s32 s2, s16  }
0x8e: {  	[smem:$0x3FC6] =	sst s2  }
0x8f: {  	_ = 	snop  }
0x90: {  	(tm) =	ssettm $0x1  }
0x91: {  	s17 =	sld [smem:$0x3FFB];
	_ =	sdelay $0x3  }
0x92: {  	_ =	strace s17  }
0x93: {  	s2 =	sld [smem:$0x3FFC];
	_ =	sdelay $0x3  }
0x94: {  	_ =	strace s2  }
0x95: {  	s2 =	sld [smem:$0x3FFD];
	_ =	sdelay $0x3  }
0x96: {  	_ =	strace s2  }
0x97: {  	_ =	strace $0x8FFFFFFF  }
0x98: {  	s18 =	sld [smem:$0x3FDB];
	_ =	sdelay $0x1  }
0x99: {  	s19 =	simm.s32 $_scs_section_size  }
0x9a: {  	s4 =	simm.s32 $_size__tile_overlayer_lowered;
	s5 =	simm.s32 $_tile_overlayer_lowered  }
0x9b: {  	s22 =	simm.s32 $0x1BFF;
	s21 =	sshll.u32 s5, $0x1;
	s2 =	sadd.s32 s19, s18  }
0x9c: {  	s6 =	simm.s32 $0x0;
	s20 =	sshll.u32 s4, $0x1;
	s4 =	sadd.s32 s21, s2  }
0x9d: {  	[timem:s6], [sflag:s22] =	dma.local [hbm:s4], s20  }
0x9e: {  	_ =	swait.ge [sflag:s22], s20  }
0x9f: {  	s3 =	ssub.s32 $0x0, s20;
	[sflag:s22] =	ssyncset.done $0x0  }
0xa0: {  	[sflag:s22] =	ssyncadd.s32 s3;
	_ =	sdelay $0x1  }
0xa1: {  	s23 =	simm.s32 $0x1B8B  }
0xa2: {  	_ =	swait.ge [sflag:s23], $0x1  }
0xa3: {  	[sflag:s23] =	ssyncset.done $0x0  }
0xa4: {  	s25 =	simm.s32 $0x1B8E;
	s24 =	sld [smem:$0x3FFE];
	[sflag:s23] =	ssyncadd.s32 $0xFFFFFFFF  }
0xa5: {  	s26 =	simm.s32 $execute0_lowered;
	[smem:$0x3FD2] =	sst s25  }
0xa6: {  	s4 =	sshll.u32 s26, $0x1;
	_ =	strace $0x80000046;
	[dreg:$0x1] =	wrdreg $0xFFFFFFFF  }
0xa7: {  	s28 =	simm.s32 $_size_execute0_lowered;
	s2 =	sadd.s32 s2, s4;
	[dreg:$0x0] =	wrdreg $0x0  }
0xa8: {  	s4 =	sshll.u32 s28, $0x1;
	[dreg:$0x2] =	wrdreg s2  }
0xa9: {  	[dreg:$0x3] =	wrdreg s4  }
0xaa: {  	[dreg:$0x4] =	wrdreg $0xC0  }
0xab: {  	_ =	task [dreg:s6], $0x5FFFF  }
0xac: {  	[dreg:$0x1] =	wrdreg $0xFFFFFFFF  }
0xad: {  	[dreg:$0x0] =	wrdreg $0x60  }
0xae: {  	[dreg:$0x2] =	wrdreg s24  }
0xaf: {  	[dreg:$0x3] =	wrdreg $0x12F200  }
0xb0: {  	[dreg:$0x4] =	wrdreg $0x193200  }
0xb1: {  	[dreg:$0x5] =	wrdreg $0x9  }
0xb2: {  	_ =	task.clear_ibuf [dreg:s6], $0x6FFFF;
	_ =	strace $0x90000046  }
0xb3: {  	s29 =	simm.s32 $0x9;
	_ =	strace $0x80000048  }
0xb4: {  	_ =	swait.ge [sflag:s29], $0x1  }
0xb5: {  	[sflag:s29] =	ssyncadd.s32 $0xFFFFFFFF  }
0xb6: {  	_ =	strace $0x90000048  }
0xb7: {  	_ =	sfence  }
0xb8: {  	s30 =	sld [smem:$0x0];
	_ =	sdelay $0x2  }
0xb9: {  	s31 =	sshll.u32 s1, $0xD;
	s1 =	sshrl.u32 s1, $0x2  }
0xba: {  	s3 =	sand.u32 $0x4000, s31;
	s1 =	sadd.s32 s1, s30  }
0xbb: {  	s0 =	sor.u32 s3, s0;
	s1 =	sshll.u32 s1, $0x11  }
0xbc: {  	s0 =	sor.u32 s1, s0  }
0xbd: {  	s0 =	sadd.s32 $0x8F2B, s0  }
0xbe: {  	[sflag:s0] =	ssyncadd.remote.s32 $0x1  }
0xbf: {  	_ =	sfence.sel $0xFFFF  }
0xc0: {  	[dreg:$0x0] =	wrdreg $0xFFFFFFFF;
	(pc) =	sbr.abs _section_cstart, $3  }
0xc1: {  	[dreg:$0x1] =	wrdreg $0xFFFFFFFF  }
0xc2: {  	_ =	task.clear_ibuf [dreg:s6], $0x2FFFF;
	_ =	strace $0x9FFFFFFF  }
0xc3: {  	(tm) =	ssettm $0x7FFFFFFF  }
tec
execute0_lowered:
.L_overlay_start_1:
0x0: {  	(tag) =	ssettag $0x1  }
0x1: {  	v0 =	vlaneseq.u32  }
0x2: {  	s0 =	rddreg [dreg:$0x0];
	v22 =	vmul.u32 $0x8, v0  }
0x3: {  	s11 =	rddreg [dreg:$0x1];
	s5 =	simm.s32 $0x0  }
0x4: {  	[smem:$0x7FF] =	sst s5;
	v0 =	vor.u32 $0x87, v22  }
0x5: {  	s13 =	rddreg [dreg:$0x2];
	_ =	strace $0x80000047;
	v62 =	vor.u32 $0x107, v22;
	[tilespmem:$0x1FE10] =	vst v0  }
0x6: {  	v24 =	vor.u32 $0x104, v22;
	[tilespmem:$0x1FE20] =	vst v62  }
0x7: {  	v63 =	vor.u32 $0x187, v22;
	[tilespmem:$0x1FE30] =	vst v24  }
0x8: {  	v44 =	vor.u32 $0x105, v22;
	[tilespmem:$0x1FE40] =	vst v63  }
0x9: {  	v41 =	vor.u32 $0x85, v22;
	[tilespmem:$0x1FE50] =	vst v44  }
0xa: {  	v23 =	vor.u32 $0x185, v22;
	[tilespmem:$0x1FE60] =	vst v41  }
0xb: {  	v42 =	vor.u32 $0x5, v22;
	[tilespmem:$0x1FE70] =	vst v23  }
0xc: {  	v30 =	vor.u32 $0x181, v22;
	[tilespmem:$0x1FE80] =	vst v42  }
0xd: {  	v43 =	vor.u32 $0x6, v22;
	[tilespmem:$0x1FE90] =	vst v30  }
0xe: {  	v45 =	vor.u32 $0x86, v22;
	[tilespmem:$0x1FEA0] =	vst v43  }
0xf: {  	v46 =	vor.u32 $0x106, v22;
	[tilespmem:$0x1FEB0] =	vst v45  }
0x10: {  	v47 =	vor.u32 $0x186, v22;
	[tilespmem:$0x1FEC0] =	vst v46  }
0x11: {  	v48 =	vor.u32 $0x7, v22;
	[tilespmem:$0x1FED0] =	vst v47  }
0x12: {  	v50 =	vor.u32 $0x2, v22;
	[tilespmem:$0x1FEE0] =	vst v48  }
0x13: {  	v31 =	vor.u32 $0x184, v22;
	[tilespmem:$0x1FEF0] =	vst v50  }
0x14: {  	v13 =	vor.u32 $0x102, v22;
	[tilespmem:$0x1FF00] =	vst v31  }
0x15: {  	v29 =	vor.u32 $0x101, v22;
	[tilespmem:$0x1FF10] =	vst v13  }
0x16: {  	v15 =	vor.u32 $0x3, v22;
	[tilespmem:$0x1FF20] =	vst v29  }
0x17: {  	v17 =	vor.u32 $0x103, v22;
	[tilespmem:$0x1FF30] =	vst v15  }
0x18: {  	s1 =	srdreg.scid;
	s2 =	stileid.u32;
	v28 =	vor.u32 $0x81, v22;
	[tilespmem:$0x1FF40] =	vst v17  }
0x19: {  	s18 =	simm.s32 $0x3;
	s19 =	simm.s32 $0x2;
	s21 =	simm.s32 $0xCB20;
	v19 =	vor.u32 $0x4, v22;
	[tilespmem:$0x1FF50] =	vst v28  }
0x1a: {  	s22 =	simm.s32 $0x8;
	s23 =	simm.s32 $0x80;
	s1 =	sand.u32 $0x1, s1;
	v12 =	vor.u32 $0x82, v22;
	[tilespmem:$0x1FF60] =	vst v19  }
0x1b: {  	s24 =	simm.s32 $0x7;
	s4 =	sshll.u32 s2, $0x3;
	s3 =	sshll.u32 s1, $0xD;
	v27 =	vor.u32 $0x1, v22;
	[tilespmem:$0x1FF70] =	vst v12  }
0x1c: {  	s25 =	simm.s32 $0x4;
	s5 =	sadd.s32 $0x400, s0;
	s7 =	sor.u32 s4, s3;
	v14 =	vor.u32 $0x182, v22;
	[tilespmem:$0x1FF80] =	vst v27  }
0x1d: {  	p1 =	seq.s32 s2, $0x0;
	p0 =	sne.s32 s2, $0x0;
	v26 =	vor.u32 $0x180, v22;
	s6 =	smul.u32 $0x32, s7;
	[tilespmem:$0x1FF90] =	vst v14  }
0x1e: {  	s1 =	ssub.s32 $0x2, s1;
	s11 =	sadd.s32 s4, s11;
	s13 =	sadd.s32 s4, s13;
	v16 =	vor.u32 $0x83, v22;
	[tilespmem:$0x1FFA0] =	vst v26  }
.Ltmp0:
0x1f: {  	s9 =	sshrl.u32 s1, $0x1;
	v25 =	vor.u32 $0x100, v22;
	[tilespmem:$0x1FFB0] =	vst v16;
	s8 =	sshrl.u32 s6, $0x3;
	(pc) =	sbr.rel .LBB2_1-.Ltmp0, $4  }
0x20: {  	v18 =	vor.u32 $0x183, v22;
	s30 =	ssub.s32 s1, s9;
	[tilespmem:$0x1FFC0] =	vst v25;
	s6 =	sadd.s32 $0x19400, s0;
	s10 =	sadd.s32 s5, s8  }
0x21: {  	v20 =	vor.u32 $0x84, v22;
	[tilespmem:$0x1FFD0] =	vst v18;
	s8 =	sadd.s32 $0xDCA00, s0;
	s0 =	smax.u32 s30, $0x1;
	[dreg:$0x4] =	wrdreg s10  }
0x22: {  	v21 =	vor.u32 $0x80, v22;
	s12 =	sor.u32 $0x180, s7;
	[tilespmem:$0x1FFE0] =	vst v20;
	s31 =	sadd.s32 $0x320, s10;
	[dreg:$0x6] =	wrdreg s0  }
0x23: {  	s1 =	simm.s32 $0x0;
	[tilespmem:$0x1FFF0] =	vst v21;
	s10 =	sor.u32 $0x100, s7;
	[dreg:$0x5] =	wrdreg s31  }
.LBB2_8:
0x24: {  	s0 =	simm.s32 $0x5  }
0x25: {  	_ =	swait.ge [sflag:s0], $0xC800  }
0x26: {  	[sflag:s0] =	ssyncset.done $0x0  }
0x27: {  	s31 =	simm.s32 $0x6;
	[sflag:s0] =	ssyncadd.s32 $0xFFFF3800  }
0x28: {  	_ =	swait.ge [sflag:s31], $0xC800  }
0x29: {  	[sflag:s31] =	ssyncset.done $0x0  }
0x2a: {  	[sflag:s31] =	ssyncadd.s32 $0xFFFF3800  }
.LBB2_9:
0x2b: {  	s1 =	rddreg [dreg:$0x7]  }
0x2c: {  	s0 =	rddreg [dreg:$0x6];
	s1 =	sadd.s32 $0x1, s1  }
0x2d: {  	p2 =	sne.s32 s1, s0  }
.Ltmp1:
0x2e: {  	_ = 	snop;
	(pc) =	sbr.rel @!p2 .LBB2_10-.Ltmp1, $2  }
0x2f: {  	_ =	sdelay $0x1  }
0x30: {  	[bflag:$0x0] =	sbarrier.arrive $0xFFFF;
	_ =	sdelay $0x1  }
.LBB2_1:
0x31: {  	s0 =	simm.s32 $0x0;
	s28 =	rddreg [dreg:$0x4]  }
0x32: {  	[tilespmem:s0], [sflag:$0x1] =	stream.linear.gather [hbm4b:s28+s0], $0x190, $0x38;
	[tilespmem:$0x1F720] =	vst v63  }
0x33: {  	s29 =	rddreg [dreg:$0x5];
	s2 =	simm.s32 $0x190  }
0x34: {  	[tilespmem:s2], [sflag:$0x2] =	stream.linear.gather [hbm4b:s29+s0], $0x190, $0x38;
	[tilespmem:$0x1F720] =	vst v63  }
.Ltmp2:
0x35: {  	[dreg:$0x7] =	wrdreg s1;
	s30 =	simm.s32 $0x1;
	(pc) =	sbr.rel .LBB2_2-.Ltmp2, $4  }
0x36: {  	_ =	swait.ge [sflag:s30], $0x190  }
0x37: {  	[sflag:s30] =	ssyncset.done $0x0  }
0x38: {  	s31 =	simm.s32 $0x320;
	s17 =	simm.s32 $0x0;
	[sflag:s30] =	ssyncadd.s32 $0xFFFFFE70  }
0x39: {  	[tilespmem:s31], [sflag:$0x3] =	stream.indirect.gather [hbm4b:s6+s2], $0x40, s0, s2, $0xb8;
	[tilespmem:$0x1F720] =	vst v63  }
.LBB2_7:
0x3a: {  	s0 =	sor.u32 s30, s3  }
0x3b: {  	s1 =	rddreg [dreg:$0x2];
	s2 =	simm.s32 $0x1;
	s0 =	sshrl.u32 s0, $0x3  }
0x3c: {  	s4 =	simm.s32 $0x800;
	s7 =	simm.s32 $0x10;
	s0 =	sadd.s32 s0, s8  }
0x3d: {  	s9 =	simm.s32 $0x1C06;
	s1 =	sshrl.u32 s1, $0x3;
	s0 =	sadd.s32 $0x10, s0  }
0x3e: {  	[hbm:s0@s4], [sflag:s9] =	dma.strided [spmem:s1@s7], $0xC800, s2, $0x10   }
0x3f: {  	s17 =	sadd.s32 $0x1, s17;
	v25 =	vld [tilespmem:$0x1FFC0]  }
0x40: {  	p2 =	seq.s32 s17, $0x20;
	v26 =	vld [tilespmem:$0x1FFA0]  }
.Ltmp3:
0x41: {  	v27 =	vld [tilespmem:$0x1FF80];
	(pc) =	sbr.rel @p2 .LBB2_8-.Ltmp3, $4  }
0x42: {  	v28 =	vld [tilespmem:$0x1FF50]  }
0x43: {  	v29 =	vld [tilespmem:$0x1FF20]  }
0x44: {  	v30 =	vld [tilespmem:$0x1FE90]  }
0x45: {  	v31 =	vld [tilespmem:$0x1FF00]  }
.LBB2_2:
0x46: {  	s30 =	sshll.u32 s17, $0x8;
	p2 =	seq.s32 s17, $0x1F  }
0x47: {  	s0 =	sadd.s32 @!p2 s30, s10  }
0x48: {  	s0 =	smul.u32 @!p2 $0x32, s0  }
0x49: {  	_ =	swait.ge [sflag:s18], $0x6400  }
0x4a: {  	[sflag:s18] =	ssyncset.done $0x0;
	s0 =	sshrl.u32 @!p2 s0, $0x3  }
0x4b: {  	s1 =	simm.s32 @!p2 $0x0;
	[sflag:s18] =	ssyncadd.s32 $0xFFFF9C00;
	s0 =	sadd.s32 @!p2 s5, s0  }
0x4c: {  	[tilespmem:s1], [sflag:$0x1] =	stream.linear.gather @!p2 [hbm4b:s0+s1], $0x190, $0x38;
	[tilespmem:$0x1F720] =	vst v63  }
0x4d: {  	_ =	swait.ge [sflag:s19], $0x190  }
0x4e: {  	s15 =	simm.s32 $0x190;
	[sflag:s19] =	ssyncset.done $0x0  }
0x4f: {  	s16 =	simm.s32 $0x6720;
	s20 =	simm.s32 $0x0;
	[sflag:s19] =	ssyncadd.s32 $0xFFFFFE70  }
0x50: {  	[tilespmem:s16], [sflag:$0x4] =	stream.indirect.gather [hbm4b:s6+s15], $0x40, s15, s15, $0xb8;
	[tilespmem:$0x1F720] =	vst v63  }
0x51: {  	v0 =	vld [tilespmem:s20+$0xFA0]  }
0x52: {  	s29 =	simm.s32 $0x0;
	v1 =	vld [tilespmem:s20+$0xFD0]  }
0x53: {  	v3 =	vor.u32 s29, v22;
	v4 =	vld [tilespmem:s20+$0x320]  }
0x54: {  	v5 =	vor.u32 s29, v21;
	v6 =	vld [tilespmem:s20+$0x330]  }
0x55: {  	v7 =	vor.u32 s29, v25;
	v8 =	vld [tilespmem:s20+$0x340]  }
0x56: {  	v9 =	vor.u32 s29, v26;
	v10 =	vld [tilespmem:s20+$0x350]  }
0x57: {  	v11 =	vor.u32 s29, v27;
	v2 =	vld [tilespmem:s20+$0xFC0]  }
0x58: {  	v33 =	vor.u32 s29, v28;
	v32 =	vld [tilespmem:s20+$0xFB0];
	[tilespmem:v3+s21+$0x0] =	vst.idx.msk $0xffff, v4  }
0x59: {  	v3 =	vor.u32 s29, v29;
	[tilespmem:v5+s21+$0x0] =	vst.idx.msk $0xffff, v6  }
0x5a: {  	v4 =	vor.u32 s29, v30;
	[tilespmem:v7+s21+$0x0] =	vst.idx.msk $0xffff, v8  }
0x5b: {  	[tilespmem:v9+s21+$0x0] =	vst.idx.msk $0xffff, v10  }
0x5c: {  	[tilespmem:v11+s21+$0x0] =	vst.idx.msk $0xffff, v0  }
0x5d: {  	[tilespmem:v33+s21+$0x0] =	vst.idx.msk $0xffff, v32  }
0x5e: {  	[tilespmem:v3+s21+$0x0] =	vst.idx.msk $0xffff, v2  }
0x5f: {  	[tilespmem:v4+s21+$0x0] =	vst.idx.msk $0xffff, v1  }
0x60: {  	v1 =	vld [tilespmem:s20+$0x1C40]  }
0x61: {  	v2 =	vld [tilespmem:s20+$0x28A0]  }
0x62: {  	v5 =	vor.u32 s29, v50;
	v4 =	vld [tilespmem:s20+$0x1C20]  }
0x63: {  	v7 =	vor.u32 s29, v12;
	v6 =	vld [tilespmem:s20+$0x1C30]  }
0x64: {  	v9 =	vor.u32 s29, v13;
	v3 =	vld [tilespmem:s20+$0x28D0]  }
0x65: {  	v11 =	vor.u32 s29, v14;
	v10 =	vld [tilespmem:s20+$0x1C50]  }
0x66: {  	v58 =	vor.u32 s29, v15;
	v8 =	vld [tilespmem:s20+$0x28B0]  }
0x67: {  	s14 =	simm.s32 $0x80;
	v32 =	vld [tilespmem:s20+$0x28C0];
	[tilespmem:v5+s21+$0x0] =	vst.idx.msk $0xffff, v4;
	v4 =	vor.u32 s29, v16  }
0x68: {  	s28 =	simm.s32 $0x40;
	v36 =	vld [tilespmem:s14+$0xFA0];
	[tilespmem:v7+s21+$0x0] =	vst.idx.msk $0xffff, v6;
	v6 =	vor.u32 s29, v17  }
0x69: {  	s31 =	simm.s32 $0xC0;
	v34 =	vld [tilespmem:s28+$0xFD0];
	[tilespmem:v9+s21+$0x0] =	vst.idx.msk $0xffff, v1;
	v1 =	vor.u32 s29, v18  }
0x6a: {  	v35 =	vld [tilespmem:s31+$0xFA0];
	[tilespmem:v11+s21+$0x0] =	vst.idx.msk $0xffff, v10  }
0x6b: {  	v0 =	vld [tilespmem:s28+$0xFA0];
	[tilespmem:v58+s21+$0x0] =	vst.idx.msk $0xffff, v2  }
0x6c: {  	s26 =	simm.s32 $0x200;
	v5 =	vld [tilespmem:s28+$0xFC0];
	[tilespmem:v4+s21+$0x0] =	vst.idx.msk $0xffff, v8  }
0x6d: {  	v8 =	vld [tilespmem:s28+$0x320];
	[tilespmem:v6+s21+$0x0] =	vst.idx.msk $0xffff, v32;
	v6 =	vor.u32 s26, v22  }
0x6e: {  	v4 =	vld [tilespmem:s28+$0x330];
	[tilespmem:v1+s21+$0x0] =	vst.idx.msk $0xffff, v3;
	v1 =	vor.u32 s26, v21  }
0x6f: {  	v10 =	vor.u32 s26, v25;
	v2 =	vld [tilespmem:s28+$0x340]  }
0x70: {  	v59 =	vor.u32 s26, v26;
	v9 =	vld [tilespmem:s28+$0x350]  }
0x71: {  	v7 =	vld [tilespmem:s28+$0xFB0]  }
0x72: {  	v3 =	vld [tilespmem:s20+$0x41C0];
	[tilespmem:v6+s21+$0x0] =	vst.idx.msk $0xffff, v8  }
0x73: {  	v11 =	vld [tilespmem:s20+$0x41B0];
	[tilespmem:v1+s21+$0x0] =	vst.idx.msk $0xffff, v4  }
0x74: {  	v37 =	vld [tilespmem:s20+$0x41A0];
	[tilespmem:v10+s21+$0x0] =	vst.idx.msk $0xffff, v2  }
0x75: {  	[tilespmem:v59+s21+$0x0] =	vst.idx.msk $0xffff, v9;
	v9 =	vld [tilespmem:s14+$0xFD0]  }
0x76: {  	v60 =	vor.u32 s26, v27;
	v38 =	vld [tilespmem:s20+$0x3550]  }
0x77: {  	v39 =	vor.u32 s26, v28;
	v40 =	vld [tilespmem:s20+$0x3530]  }
0x78: {  	v6 =	vld [tilespmem:s20+$0x3540];
	v8 =	vor.u32 s26, v29  }
0x79: {  	v1 =	vld [tilespmem:s20+$0x3520];
	v4 =	vor.u32 s26, v30  }
0x7a: {  	v2 =	vld [tilespmem:s20+$0x41D0];
	[tilespmem:$0x1FE00] =	vst v9  }
0x7b: {  	[tilespmem:v60+s21+$0x0] =	vst.idx.msk $0xffff, v0  }
0x7c: {  	v0 =	vor.u32 s29, v19;
	[tilespmem:v39+s21+$0x0] =	vst.idx.msk $0xffff, v7  }
0x7d: {  	[tilespmem:v8+s21+$0x0] =	vst.idx.msk $0xffff, v5;
	v5 =	vor.u32 s29, v20  }
0x7e: {  	[tilespmem:v4+s21+$0x0] =	vst.idx.msk $0xffff, v34;
	v4 =	vor.u32 s29, v24  }
0x7f: {  	v10 =	vor.u32 s29, v31  }
0x80: {  	v61 =	vor.u32 s29, v42  }
0x81: {  	v32 =	vld [tilespmem:s28+$0x1C40];
	[tilespmem:v0+s21+$0x0] =	vst.idx.msk $0xffff, v1;
	v1 =	vor.u32 s29, v41  }
0x82: {  	v34 =	vld [tilespmem:s28+$0x28A0];
	[tilespmem:v5+s21+$0x0] =	vst.idx.msk $0xffff, v40;
	v5 =	vor.u32 s29, v44  }
0x83: {  	v62 =	vld [tilespmem:s28+$0x28B0];
	[tilespmem:v4+s21+$0x0] =	vst.idx.msk $0xffff, v6;
	v4 =	vor.u32 s29, v23  }
0x84: {  	v63 =	vld [tilespmem:s28+$0x1C50];
	[tilespmem:v10+s21+$0x0] =	vst.idx.msk $0xffff, v38  }
0x85: {  	v6 =	vld [tilespmem:s28+$0x1C20];
	v10 =	vor.u32 s26, v50;
	[tilespmem:v61+s21+$0x0] =	vst.idx.msk $0xffff, v37  }
0x86: {  	[tilespmem:v1+s21+$0x0] =	vst.idx.msk $0xffff, v11;
	v1 =	vld [tilespmem:s28+$0x1C30];
	v11 =	vor.u32 s26, v12  }
0x87: {  	v0 =	vld [tilespmem:s28+$0x28D0];
	[tilespmem:v5+s21+$0x0] =	vst.idx.msk $0xffff, v3;
	v3 =	vor.u32 s26, v13  }
0x88: {  	v5 =	vld [tilespmem:s28+$0x28C0];
	[tilespmem:v4+s21+$0x0] =	vst.idx.msk $0xffff, v2;
	v2 =	vor.u32 s26, v14  }
0x89: {  	v13 =	vor.u32 s26, v15;
	v4 =	vld [tilespmem:s20+$0x4E20]  }
0x8a: {  	v39 =	vld [tilespmem:s20+$0x4E30];
	[tilespmem:v10+s21+$0x0] =	vst.idx.msk $0xffff, v6;
	v6 =	vor.u32 s26, v16  }
0x8b: {  	v10 =	vld [tilespmem:s20+$0x4E40];
	[tilespmem:v11+s21+$0x0] =	vst.idx.msk $0xffff, v1;
	v1 =	vor.u32 s26, v17  }
0x8c: {  	v57 =	vld [tilespmem:s20+$0x5AC0];
	[tilespmem:v3+s21+$0x0] =	vst.idx.msk $0xffff, v32;
	v3 =	vor.u32 s26, v18  }
0x8d: {  	v53 =	vld [tilespmem:s20+$0x5AD0];
	[tilespmem:v2+s21+$0x0] =	vst.idx.msk $0xffff, v63;
	v2 =	vor.u32 s29, v43  }
0x8e: {  	v14 =	vor.u32 s29, v45;
	v15 =	vld [tilespmem:s20+$0x5AA0];
	[tilespmem:v13+s21+$0x0] =	vst.idx.msk $0xffff, v34  }
0x8f: {  	v61 =	vld [tilespmem:s20+$0x5AB0];
	[tilespmem:v6+s21+$0x0] =	vst.idx.msk $0xffff, v62;
	v6 =	vor.u32 s29, v46  }
0x90: {  	s2 =	simm.s32 $0x400;
	v11 =	vld [tilespmem:s20+$0x4E50];
	[tilespmem:v1+s21+$0x0] =	vst.idx.msk $0xffff, v5;
	v1 =	vor.u32 s29, v47  }
0x91: {  	v16 =	vld [tilespmem:s14+$0x320];
	v5 =	vor.u32 s2, v22;
	[tilespmem:v3+s21+$0x0] =	vst.idx.msk $0xffff, v0  }
0x92: {  	v17 =	vld [tilespmem:s14+$0x330];
	v3 =	vor.u32 s2, v21;
	[tilespmem:v2+s21+$0x0] =	vst.idx.msk $0xffff, v4  }
0x93: {  	v9 =	vld [tilespmem:s14+$0xFC0];
	v2 =	vor.u32 s29, v48;
	[tilespmem:v14+s21+$0x0] =	vst.idx.msk $0xffff, v39  }
0x94: {  	v12 =	vld [tilespmem:s14+$0x340];
	v18 =	vor.u32 s2, v25;
	[tilespmem:v6+s21+$0x0] =	vst.idx.msk $0xffff, v10  }
0x95: {  	v58 =	vor.u32 s2, v26;
	v8 =	vld [tilespmem:s14+$0x350];
	[tilespmem:v1+s21+$0x0] =	vst.idx.msk $0xffff, v11  }
0x96: {  	v7 =	vld [tilespmem:s14+$0xFB0];
	v10 =	vor.u32 s2, v27;
	[tilespmem:v5+s21+$0x0] =	vst.idx.msk $0xffff, v16  }
0x97: {  	v11 =	vor.u32 s2, v28;
	[tilespmem:v3+s21+$0x0] =	vst.idx.msk $0xffff, v17  }
0x98: {  	[tilespmem:v2+s21+$0x0] =	vst.idx.msk $0xffff, v15  }
0x99: {  	[tilespmem:v18+s21+$0x0] =	vst.idx.msk $0xffff, v12  }
0x9a: {  	[tilespmem:v58+s21+$0x0] =	vst.idx.msk $0xffff, v8  }
0x9b: {  	[tilespmem:v10+s21+$0x0] =	vst.idx.msk $0xffff, v36  }
0x9c: {  	v63 =	vor.u32 s2, v29;
	[tilespmem:v11+s21+$0x0] =	vst.idx.msk $0xffff, v7  }
0x9d: {  	v3 =	vld [tilespmem:$0x1FE10];
	_ =	sdelay $0x3  }
0x9e: {  	[tilespmem:v63+s21+$0x0] =	vst.idx.msk $0xffff, v9  }
0x9f: {  	v24 =	vmov v3;
	v7 =	vor.u32 s29, v3;
	v3 =	vld [tilespmem:$0x1FE20]  }
0xa0: {  	s9 =	simm.s32 $0x100  }
0xa1: {  	v33 =	vld [tilespmem:s9+$0xFA0]  }
0xa2: {  	v54 =	vld [tilespmem:s31+$0xFB0]  }
0xa3: {  	v56 =	vld [tilespmem:s28+$0x41C0]  }
0xa4: {  	v55 =	vor.u32 s2, v30;
	v8 =	vor.u32 s29, v3;
	v3 =	vld [tilespmem:$0x1FE00]  }
0xa5: {  	v59 =	vld [tilespmem:s28+$0x41B0]  }
0xa6: {  	v60 =	vld [tilespmem:s28+$0x41A0]  }
0xa7: {  	s4 =	simm.s32 $0x600;
	v0 =	vld [tilespmem:s28+$0x3550]  }
0xa8: {  	s7 =	simm.s32 $0x800;
	v51 =	vor.u32 s4, v22;
	v52 =	vor.u32 s4, v21;
	v4 =	vld [tilespmem:s28+$0x3540]  }
0xa9: {  	v49 =	vor.u32 s4, v25;
	v42 =	vor.u32 s7, v26;
	v41 =	vor.u32 s7, v21;
	v62 =	vld [tilespmem:s28+$0x41D0];
	[tilespmem:v55+s21+$0x0] =	vst.idx.msk $0xffff, v3  }
0xaa: {  	v44 =	vor.u32 s2, v31;
	v40 =	vor.u32 s7, v22;
	v50 =	vor.u32 s4, v26;
	v3 =	vld [tilespmem:$0x1FE30]  }
0xab: {  	v38 =	vor.u32 s7, v27;
	v37 =	vor.u32 s7, v29;
	v45 =	vor.u32 s4, v30;
	v6 =	vld [tilespmem:s28+$0x3520]  }
0xac: {  	v32 =	vor.u32 s7, v31;
	v43 =	vor.u32 s7, v25;
	v34 =	vor.u32 s4, v31;
	v5 =	vld [tilespmem:s28+$0x3530]  }
0xad: {  	v46 =	vor.u32 s4, v29;
	v47 =	vor.u32 s4, v27;
	v1 =	vld [tilespmem:s31+$0xFD0];
	v10 =	vor.u32 s26, v19  }
0xae: {  	v48 =	vor.u32 s4, v28;
	v39 =	vor.u32 s7, v28;
	v2 =	vld [tilespmem:s31+$0xFC0];
	v58 =	vor.u32 s26, v31  }
0xaf: {  	s1 =	simm.s32 $0x5;
	s16 =	simm.s32 $0x500;
	v36 =	vor.u32 s7, v30;
	v9 =	vor.u32 s26, v20;
	v55 =	vld [tilespmem:s31+$0x350];
	v11 =	vor.u32 s26, v3  }
.LBB2_3:
0xb0: {  	v3 =	vld [tilespmem:$0x1FE80]  }
0xb1: {  	v12 =	vld [tilespmem:s14+$0x1C40]  }
0xb2: {  	[tilespmem:v10+s21+$0x0] =	vst.idx.msk $0xffff, v6;
	v18 =	vld [tilespmem:$0x1FEF0]  }
0xb3: {  	v13 =	vld [tilespmem:s14+$0x28A0];
	[tilespmem:v7+s21+$0x0] =	vst.idx.msk $0xffff, v61  }
0xb4: {  	v7 =	vld [tilespmem:s14+$0x28D0]  }
0xb5: {  	[tilespmem:v8+s21+$0x0] =	vst.idx.msk $0xffff, v57;
	v14 =	vor.u32 s26, v3;
	v3 =	vld [tilespmem:$0x1FE60]  }
0xb6: {  	v8 =	vld [tilespmem:s14+$0x28B0]  }
0xb7: {  	[tilespmem:v9+s21+$0x0] =	vst.idx.msk $0xffff, v5;
	v5 =	vld [tilespmem:$0x1FE50]  }
0xb8: {  	v9 =	vld [tilespmem:s14+$0x1C50]  }
0xb9: {  	[tilespmem:v11+s21+$0x0] =	vst.idx.msk $0xffff, v4;
	v4 =	vld [tilespmem:$0x1FE70]  }
0xba: {  	v57 =	vld [tilespmem:s14+$0x1C20];
	v61 =	vor.u32 s26, v3  }
0xbb: {  	[tilespmem:v58+s21+$0x0] =	vst.idx.msk $0xffff, v0;
	v0 =	vld [tilespmem:$0x1FE40]  }
0xbc: {  	v19 =	vld [tilespmem:$0x1FF70];
	v5 =	vor.u32 s26, v5  }
0xbd: {  	s0 =	sshra.s32 s16, $0x2;
	s15 =	sshll.u32 s1, $0x9;
	v20 =	vld [tilespmem:$0x1FFB0]  }
0xbe: {  	v10 =	vor.u32 s15, v31;
	v15 =	vld [tilespmem:s0+$0xFA0];
	v4 =	vor.u32 s26, v4;
	[tilespmem:v14+s21+$0x0] =	vst.idx.msk $0xffff, v60  }
0xbf: {  	v58 =	vmovc v44;
	v44 =	vmov v34;
	v34 =	vmov v32;
	v32 =	vmov v10;
	v10 =	vld [tilespmem:s31+$0x340];
	[tilespmem:v61+s21+$0x0] =	vst.idx.msk $0xffff, v59  }
0xc0: {  	v0 =	vor.u32 s29, v0;
	v59 =	vld [tilespmem:s14+$0x1C30]  }
0xc1: {  	[tilespmem:v5+s21+$0x0] =	vst.idx.msk $0xffff, v56;
	v56 =	vld [tilespmem:$0x1FF10]  }
0xc2: {  	s29 =	smov.u32 s26;
	s26 =	smov.u32 s2;
	v5 =	vld [tilespmem:s14+$0x28C0]  }
0xc3: {  	v60 =	vor.u32 s26, v18;
	[tilespmem:v4+s21+$0x0] =	vst.idx.msk $0xffff, v62;
	v4 =	vld [tilespmem:$0x1FF90]  }
0xc4: {  	v62 =	vld [tilespmem:s28+$0x4E20]  }
0xc5: {  	v61 =	vor.u32 s26, v19;
	[tilespmem:v0+s21+$0x0] =	vst.idx.msk $0xffff, v53;
	v0 =	vld [tilespmem:$0x1FF30]  }
0xc6: {  	v56 =	vor.u32 s26, v56  }
0xc7: {  	v21 =	vld [tilespmem:$0x1FF40]  }
0xc8: {  	v19 =	vld [tilespmem:s28+$0x4E30];
	[tilespmem:v60+s21+$0x0] =	vst.idx.msk $0xffff, v57;
	v4 =	vor.u32 s26, v4  }
0xc9: {  	v60 =	vor.u32 s26, v20;
	v20 =	vld [tilespmem:s28+$0x4E40]  }
0xca: {  	[tilespmem:v61+s21+$0x0] =	vst.idx.msk $0xffff, v59;
	v61 =	vld [tilespmem:$0x1FFD0];
	v0 =	vor.u32 s26, v0  }
0xcb: {  	v57 =	vld [tilespmem:s28+$0x5AC0];
	[tilespmem:v56+s21+$0x0] =	vst.idx.msk $0xffff, v12  }
0xcc: {  	v53 =	vld [tilespmem:s28+$0x5AD0]  }
0xcd: {  	[tilespmem:v4+s21+$0x0] =	vst.idx.msk $0xffff, v9;
	v9 =	vld [tilespmem:$0x1FEA0]  }
0xce: {  	v4 =	vld [tilespmem:s28+$0x4E50]  }
0xcf: {  	v59 =	vor.u32 s26, v21;
	[tilespmem:v0+s21+$0x0] =	vst.idx.msk $0xffff, v13;
	v0 =	vld [tilespmem:$0x1FEB0]  }
0xd0: {  	v13 =	vld [tilespmem:s28+$0x5AA0]  }
0xd1: {  	v12 =	vor.u32 s26, v61;
	[tilespmem:v60+s21+$0x0] =	vst.idx.msk $0xffff, v8;
	v8 =	vld [tilespmem:$0x1FEC0]  }
0xd2: {  	v61 =	vld [tilespmem:s28+$0x5AB0];
	s28 =	smov.u32 s14;
	s14 =	smov.u32 s31;
	v9 =	vor.u32 s29, v9  }
0xd3: {  	v21 =	vld [tilespmem:s14+$0x330]  }
0xd4: {  	[tilespmem:v59+s21+$0x0] =	vst.idx.msk $0xffff, v5;
	v5 =	vld [tilespmem:$0x1FED0];
	v0 =	vor.u32 s29, v0;
	_ =	sdelay $0x1  }
0xd5: {  	v23 =	vmov v22;
	v6 =	vor.u32 s15, v22;
	v22 =	vld [tilespmem:s14+$0x320];
	[tilespmem:v12+s21+$0x0] =	vst.idx.msk $0xffff, v7  }
0xd6: {  	v56 =	vld [tilespmem:s28+$0x41C0];
	[tilespmem:v9+s21+$0x0] =	vst.idx.msk $0xffff, v62  }
0xd7: {  	v8 =	vor.u32 s29, v8;
	v59 =	vld [tilespmem:s28+$0x41B0]  }
0xd8: {  	v5 =	vor.u32 s29, v5;
	[tilespmem:v0+s21+$0x0] =	vst.idx.msk $0xffff, v19;
	v0 =	vld [tilespmem:$0x1FEE0];
	_ =	sdelay $0x1  }
0xd9: {  	v63 =	vmov v1;
	v1 =	vld [tilespmem:$0x1FFF0];
	_ =	sdelay $0x1  }
0xda: {  	v60 =	vld [tilespmem:s28+$0x41A0];
	[tilespmem:v8+s21+$0x0] =	vst.idx.msk $0xffff, v20  }
0xdb: {  	v7 =	vor.u32 s29, v0;
	v0 =	vld [tilespmem:s28+$0x3550];
	[tilespmem:v5+s21+$0x0] =	vst.idx.msk $0xffff, v4  }
0xdc: {  	[tilespmem:v51+s21+$0x0] =	vst.idx.msk $0xffff, v22  }
0xdd: {  	v1 =	vor.u32 s15, v1;
	v4 =	vld [tilespmem:s28+$0x3540]  }
0xde: {  	[tilespmem:v52+s21+$0x0] =	vst.idx.msk $0xffff, v21;
	v52 =	vmov v41;
	v41 =	vmov v1;
	v1 =	vld [tilespmem:$0x1FF60]  }
0xdf: {  	v51 =	vmov v40;
	v40 =	vmov v6;
	v6 =	vld [tilespmem:s28+$0x3520]  }
0xe0: {  	v5 =	vld [tilespmem:s28+$0x3530];
	[tilespmem:v7+s21+$0x0] =	vst.idx.msk $0xffff, v13  }
0xe1: {  	v8 =	vld [tilespmem:$0x1FE20];
	[tilespmem:v49+s21+$0x0] =	vst.idx.msk $0xffff, v10  }
0xe2: {  	s31 =	smov.u32 s9;
	v62 =	vld [tilespmem:s28+$0x41D0];
	[tilespmem:v50+s21+$0x0] =	vst.idx.msk $0xffff, v55  }
0xe3: {  	v3 =	vmov v2;
	v2 =	vor.u32 s15, v25;
	v10 =	vor.u32 s26, v1;
	v1 =	vld [tilespmem:s31+$0xFD0];
	[tilespmem:v47+s21+$0x0] =	vst.idx.msk $0xffff, v35  }
0xe4: {  	v49 =	vmov v43;
	v43 =	vmov v2;
	v2 =	vld [tilespmem:s31+$0xFC0];
	[tilespmem:v48+s21+$0x0] =	vst.idx.msk $0xffff, v54  }
0xe5: {  	v54 =	vld [tilespmem:s31+$0xFB0]  }
0xe6: {  	[tilespmem:v46+s21+$0x0] =	vst.idx.msk $0xffff, v3;
	v3 =	vld [tilespmem:$0x1FFE0]  }
0xe7: {  	p3 =	sne.s32 s16, $0x3100;
	v55 =	vld [tilespmem:s31+$0x350]  }
0xe8: {  	s2 =	smov.u32 s4;
	s4 =	smov.u32 s7;
	s7 =	smov.u32 s15;
	[tilespmem:v45+s21+$0x0] =	vst.idx.msk $0xffff, v63;
	v63 =	vld [tilespmem:$0x1FE30]  }
.Ltmp4:
0xe9: {  	v16 =	vor.u32 s15, v26;
	v11 =	vor.u32 s15, v27;
	v14 =	vor.u32 s7, v28;
	(pc) =	sbr.rel @p3 .LBB2_3-.Ltmp4, $4  }
0xea: {  	v17 =	vor.u32 s7, v29;
	v18 =	vor.u32 s7, v30;
	v22 =	vmovc v23;
	v8 =	vor.u32 s29, v8  }
0xeb: {  	s20 =	smov.u32 s16;
	v7 =	vor.u32 s29, v24;
	v50 =	vmovc v42;
	v42 =	vmovc v16;
	v47 =	vmov v38;
	v38 =	vmov v11  }
0xec: {  	s20 =	sadd.s32 $0x100, s16;
	v35 =	vmovc v33;
	v33 =	vmovc v15;
	v48 =	vmov v39;
	v39 =	vmov v14;
	v46 =	vmov v37  }
0xed: {  	s1 =	sadd.s32 $0x1, s1;
	s16 =	smov.u32 s20;
	s9 =	smov.u32 s0;
	v37 =	vmovc v17;
	v45 =	vmovc v36;
	v36 =	vmov v18;
	v9 =	vor.u32 s26, v3;
	v11 =	vor.u32 s26, v63  }
0xee: {  	_ =	sdelay $0x3  }
0xef: {  	[tilespmem:v10+s21+$0x0] =	vst.idx.msk $0xffff, v6  }
0xf0: {  	v20 =	vld [tilespmem:$0x1FE80];
	[tilespmem:v7+s21+$0x0] =	vst.idx.msk $0xffff, v61  }
0xf1: {  	v21 =	vld [tilespmem:$0x1FE60];
	[tilespmem:v8+s21+$0x0] =	vst.idx.msk $0xffff, v57  }
0xf2: {  	[tilespmem:v9+s21+$0x0] =	vst.idx.msk $0xffff, v5  }
0xf3: {  	v61 =	vld [tilespmem:$0x1FE50];
	[tilespmem:v11+s21+$0x0] =	vst.idx.msk $0xffff, v4  }
0xf4: {  	v4 =	vld [tilespmem:$0x1FE70];
	[tilespmem:v58+s21+$0x0] =	vst.idx.msk $0xffff, v0  }
0xf5: {  	v57 =	vld [tilespmem:$0x1FE40]  }
0xf6: {  	v6 =	vor.u32 s26, v20  }
0xf7: {  	v10 =	vor.u32 s26, v21  }
0xf8: {  	v3 =	vld [tilespmem:s14+$0x1C40];
	v5 =	vor.u32 s26, v61  }
0xf9: {  	v12 =	vld [tilespmem:s14+$0x1C20];
	v4 =	vor.u32 s26, v4  }
0xfa: {  	v15 =	vld [tilespmem:s14+$0x28C0];
	v0 =	vor.u32 s29, v57  }
0xfb: {  	v19 =	vld [tilespmem:s31+$0x320];
	[tilespmem:v6+s21+$0x0] =	vst.idx.msk $0xffff, v60  }
0xfc: {  	v58 =	vld [tilespmem:$0x1FEF0];
	[tilespmem:v10+s21+$0x0] =	vst.idx.msk $0xffff, v59  }
0xfd: {  	v59 =	vld [tilespmem:$0x1FF70];
	[tilespmem:v5+s21+$0x0] =	vst.idx.msk $0xffff, v56  }
0xfe: {  	v56 =	vld [tilespmem:$0x1FF10];
	[tilespmem:v4+s21+$0x0] =	vst.idx.msk $0xffff, v62  }
0xff: {  	v60 =	vld [tilespmem:$0x1FF90];
	[tilespmem:v0+s21+$0x0] =	vst.idx.msk $0xffff, v53  }
0x100: {  	v53 =	vld [tilespmem:$0x1FF30]  }
0x101: {  	v7 =	vld [tilespmem:s14+$0x28A0];
	v6 =	vor.u32 s2, v58  }
0x102: {  	v10 =	vld [tilespmem:s14+$0x1C30];
	v13 =	vor.u32 s2, v59  }
0x103: {  	v8 =	vld [tilespmem:s14+$0x28D0];
	v5 =	vor.u32 s2, v56  }
0x104: {  	v11 =	vld [tilespmem:s14+$0x1C50];
	v4 =	vor.u32 s2, v60  }
0x105: {  	v9 =	vld [tilespmem:s14+$0x28B0];
	v0 =	vor.u32 s2, v53  }
0x106: {  	v16 =	vld [tilespmem:s28+$0x4E20];
	[tilespmem:v6+s21+$0x0] =	vst.idx.msk $0xffff, v12  }
0x107: {  	v6 =	vld [tilespmem:$0x1FFB0];
	[tilespmem:v13+s21+$0x0] =	vst.idx.msk $0xffff, v10  }
0x108: {  	v62 =	vld [tilespmem:$0x1FF40];
	[tilespmem:v5+s21+$0x0] =	vst.idx.msk $0xffff, v3  }
0x109: {  	v3 =	vld [tilespmem:$0x1FFD0];
	[tilespmem:v4+s21+$0x0] =	vst.idx.msk $0xffff, v11  }
0x10a: {  	v4 =	vld [tilespmem:$0x1FEA0];
	[tilespmem:v0+s21+$0x0] =	vst.idx.msk $0xffff, v7  }
0x10b: {  	v0 =	vld [tilespmem:$0x1FEB0]  }
0x10c: {  	v17 =	vld [tilespmem:s28+$0x4E30];
	v6 =	vor.u32 s2, v6  }
0x10d: {  	v18 =	vld [tilespmem:s28+$0x4E40];
	v10 =	vor.u32 s2, v62  }
0x10e: {  	v13 =	vld [tilespmem:s28+$0x5AC0];
	v3 =	vor.u32 s2, v3  }
0x10f: {  	v5 =	vld [tilespmem:s28+$0x5AD0];
	v4 =	vor.u32 s26, v4  }
0x110: {  	v11 =	vld [tilespmem:s28+$0x4E50];
	v0 =	vor.u32 s26, v0  }
0x111: {  	v7 =	vld [tilespmem:s28+$0x5AA0];
	[tilespmem:v6+s21+$0x0] =	vst.idx.msk $0xffff, v9  }
0x112: {  	v6 =	vld [tilespmem:$0x1FEC0];
	[tilespmem:v10+s21+$0x0] =	vst.idx.msk $0xffff, v15  }
0x113: {  	v10 =	vld [tilespmem:$0x1FED0];
	[tilespmem:v3+s21+$0x0] =	vst.idx.msk $0xffff, v8  }
0x114: {  	v9 =	vld [tilespmem:s28+$0x5AB0];
	[tilespmem:v4+s21+$0x0] =	vst.idx.msk $0xffff, v16  }
0x115: {  	v3 =	vld [tilespmem:s31+$0x330];
	[tilespmem:v0+s21+$0x0] =	vst.idx.msk $0xffff, v17  }
0x116: {  	v0 =	vld [tilespmem:$0x1FEE0]  }
0x117: {  	v14 =	vld [tilespmem:s31+$0x340];
	_ =	sdelay $0x1  }
0x118: {  	v6 =	vor.u32 s26, v6  }
0x119: {  	[tilespmem:v51+s21+$0x0] =	vst.idx.msk $0xffff, v19;
	v10 =	vor.u32 s26, v10  }
0x11a: {  	[tilespmem:v52+s21+$0x0] =	vst.idx.msk $0xffff, v3;
	v0 =	vor.u32 s26, v0  }
0x11b: {  	[tilespmem:v49+s21+$0x0] =	vst.idx.msk $0xffff, v14  }
0x11c: {  	[tilespmem:v50+s21+$0x0] =	vst.idx.msk $0xffff, v55  }
0x11d: {  	[tilespmem:v6+s21+$0x0] =	vst.idx.msk $0xffff, v18  }
0x11e: {  	[tilespmem:v10+s21+$0x0] =	vst.idx.msk $0xffff, v11  }
0x11f: {  	[tilespmem:v0+s21+$0x0] =	vst.idx.msk $0xffff, v7  }
0x120: {  	v49 =	vld [tilespmem:$0x1FF60];
	[tilespmem:v47+s21+$0x0] =	vst.idx.msk $0xffff, v35  }
0x121: {  	[tilespmem:v48+s21+$0x0] =	vst.idx.msk $0xffff, v54  }
0x122: {  	v50 =	vor.u32 s26, v24;
	v35 =	vmov v24;
	v24 =	vld [tilespmem:$0x1FFE0];
	_ =	sdelay $0x1  }
0x123: {  	v4 =	vld [tilespmem:s14+$0x41C0]  }
0x124: {  	v8 =	vld [tilespmem:s14+$0x41B0]  }
0x125: {  	v3 =	vld [tilespmem:s14+$0x3520];
	v55 =	vor.u32 s2, v49  }
0x126: {  	v0 =	vld [tilespmem:s14+$0x3530];
	v51 =	vor.u32 s2, v24  }
0x127: {  	v11 =	vld [tilespmem:s14+$0x3540];
	[tilespmem:v46+s21+$0x0] =	vst.idx.msk $0xffff, v2;
	v2 =	vor.u32 s2, v63  }
0x128: {  	v6 =	vld [tilespmem:s14+$0x41A0];
	[tilespmem:v50+s21+$0x0] =	vst.idx.msk $0xffff, v9  }
0x129: {  	v10 =	vld [tilespmem:s14+$0x3550];
	[tilespmem:v45+s21+$0x0] =	vst.idx.msk $0xffff, v1  }
0x12a: {  	v7 =	vld [tilespmem:s14+$0x41D0];
	[tilespmem:v55+s21+$0x0] =	vst.idx.msk $0xffff, v3  }
0x12b: {  	[tilespmem:v51+s21+$0x0] =	vst.idx.msk $0xffff, v0  }
0x12c: {  	v16 =	vld [tilespmem:s9+$0xFC0];
	v3 =	vor.u32 s2, v20;
	[tilespmem:v2+s21+$0x0] =	vst.idx.msk $0xffff, v11  }
0x12d: {  	v51 =	vld [tilespmem:$0x1FE70]  }
0x12e: {  	v55 =	vld [tilespmem:$0x1FE20]  }
0x12f: {  	v9 =	vor.u32 s2, v21;
	v1 =	vld [tilespmem:s31+$0x1C40]  }
0x130: {  	v12 =	vld [tilespmem:s31+$0x28A0];
	v0 =	vor.u32 s2, v61;
	[tilespmem:v44+s21+$0x0] =	vst.idx.msk $0xffff, v10  }
0x131: {  	v10 =	vld [tilespmem:s31+$0x1C20];
	[tilespmem:v3+s21+$0x0] =	vst.idx.msk $0xffff, v6;
	v6 =	vor.u32 s4, v58  }
0x132: {  	v45 =	vld [tilespmem:s31+$0x28D0];
	v2 =	vor.u32 s2, v51  }
0x133: {  	v46 =	vld [tilespmem:s31+$0x28B0];
	v11 =	vor.u32 s26, v55  }
0x134: {  	v47 =	vmov v21;
	v54 =	vmov v20;
	v21 =	vor.u32 s26, v57;
	v20 =	vld [tilespmem:s31+$0x1C50];
	[tilespmem:v9+s21+$0x0] =	vst.idx.msk $0xffff, v8  }
0x135: {  	v8 =	vld [tilespmem:s31+$0x1C30];
	v9 =	vor.u32 s4, v59;
	[tilespmem:v0+s21+$0x0] =	vst.idx.msk $0xffff, v4  }
0x136: {  	v0 =	vld [tilespmem:s31+$0x28C0];
	v4 =	vor.u32 s4, v56;
	[tilespmem:v6+s21+$0x0] =	vst.idx.msk $0xffff, v10  }
0x137: {  	v19 =	vld [tilespmem:s9+$0x350];
	[tilespmem:v2+s21+$0x0] =	vst.idx.msk $0xffff, v7  }
0x138: {  	v14 =	vld [tilespmem:s9+$0xFD0];
	[tilespmem:v11+s21+$0x0] =	vst.idx.msk $0xffff, v13  }
0x139: {  	v18 =	vld [tilespmem:s9+$0xFB0];
	v2 =	vor.u32 s4, v60;
	[tilespmem:v21+s21+$0x0] =	vst.idx.msk $0xffff, v5  }
0x13a: {  	v50 =	vmov v61;
	v61 =	vld [tilespmem:$0x1FFB0];
	[tilespmem:v9+s21+$0x0] =	vst.idx.msk $0xffff, v8  }
0x13b: {  	v3 =	vld [tilespmem:s9+$0x340];
	[tilespmem:v4+s21+$0x0] =	vst.idx.msk $0xffff, v1  }
0x13c: {  	v48 =	vld [tilespmem:$0x1FFD0]  }
0x13d: {  	v7 =	vld [tilespmem:s14+$0x4E20];
	v5 =	vor.u32 s4, v53  }
0x13e: {  	[tilespmem:v2+s21+$0x0] =	vst.idx.msk $0xffff, v20;
	v2 =	vld [tilespmem:s9+$0x320]  }
0x13f: {  	v11 =	vld [tilespmem:s14+$0x4E30];
	v6 =	vor.u32 s4, v61  }
0x140: {  	v10 =	vld [tilespmem:s14+$0x4E40];
	v8 =	vor.u32 s4, v62  }
0x141: {  	v9 =	vld [tilespmem:s14+$0x5AC0];
	v1 =	vor.u32 s4, v48  }
0x142: {  	[tilespmem:v5+s21+$0x0] =	vst.idx.msk $0xffff, v12;
	v5 =	vld [tilespmem:s9+$0x330]  }
0x143: {  	v4 =	vld [tilespmem:s14+$0x5AD0];
	[tilespmem:v40+s21+$0x0] =	vst.idx.msk $0xffff, v2  }
0x144: {  	v12 =	vld [tilespmem:s14+$0x4E50];
	[tilespmem:v6+s21+$0x0] =	vst.idx.msk $0xffff, v46  }
0x145: {  	v6 =	vld [tilespmem:s14+$0x5AA0];
	[tilespmem:v8+s21+$0x0] =	vst.idx.msk $0xffff, v0  }
0x146: {  	v0 =	vld [tilespmem:s14+$0x5AB0];
	[tilespmem:v1+s21+$0x0] =	vst.idx.msk $0xffff, v45  }
0x147: {  	[tilespmem:v41+s21+$0x0] =	vst.idx.msk $0xffff, v5;
	v1 =	vld [tilespmem:s31+$0x41C0]  }
0x148: {  	[tilespmem:v43+s21+$0x0] =	vst.idx.msk $0xffff, v3;
	v2 =	vld [tilespmem:s31+$0x41B0]  }
0x149: {  	v44 =	vld [tilespmem:$0x1FEA0];
	[tilespmem:v42+s21+$0x0] =	vst.idx.msk $0xffff, v19  }
0x14a: {  	v45 =	vld [tilespmem:$0x1FEB0];
	[tilespmem:v38+s21+$0x0] =	vst.idx.msk $0xffff, v33  }
0x14b: {  	v46 =	vld [tilespmem:$0x1FEC0];
	[tilespmem:v39+s21+$0x0] =	vst.idx.msk $0xffff, v18  }
0x14c: {  	v52 =	vld [tilespmem:$0x1FED0];
	[tilespmem:v37+s21+$0x0] =	vst.idx.msk $0xffff, v16  }
0x14d: {  	v38 =	vld [tilespmem:$0x1FEE0]  }
0x14e: {  	v5 =	vld [tilespmem:s31+$0x41A0];
	v3 =	vor.u32 s2, v44  }
0x14f: {  	v8 =	vld [tilespmem:s31+$0x3550];
	v40 =	vor.u32 s2, v45  }
0x150: {  	v15 =	vld [tilespmem:s31+$0x3540];
	v41 =	vor.u32 s2, v46  }
0x151: {  	v42 =	vld [tilespmem:s31+$0x3520];
	v43 =	vor.u32 s2, v52  }
0x152: {  	v20 =	vld [tilespmem:s31+$0x3530];
	[tilespmem:v36+s21+$0x0] =	vst.idx.msk $0xffff, v14;
	v33 =	vor.u32 s2, v38  }
0x153: {  	v21 =	vld [tilespmem:s31+$0x41D0];
	[tilespmem:v3+s21+$0x0] =	vst.idx.msk $0xffff, v7;
	v3 =	vor.u32 s4, v49  }
0x154: {  	v36 =	vld [tilespmem:s9+$0x28A0];
	[tilespmem:v40+s21+$0x0] =	vst.idx.msk $0xffff, v11;
	v11 =	vor.u32 s2, v35  }
0x155: {  	v14 =	vld [tilespmem:s9+$0x28D0];
	[tilespmem:v41+s21+$0x0] =	vst.idx.msk $0xffff, v10;
	v10 =	vor.u32 s2, v55  }
0x156: {  	v39 =	vor.u32 s7, v58;
	v37 =	vld [tilespmem:s9+$0x1C20];
	[tilespmem:v43+s21+$0x0] =	vst.idx.msk $0xffff, v12  }
0x157: {  	v40 =	vor.u32 s7, v59;
	[tilespmem:v33+s21+$0x0] =	vst.idx.msk $0xffff, v6;
	v6 =	vld [tilespmem:s9+$0x1C30]  }
0x158: {  	v7 =	vld [tilespmem:s9+$0x1C40];
	v41 =	vor.u32 s7, v56;
	[tilespmem:v3+s21+$0x0] =	vst.idx.msk $0xffff, v42  }
0x159: {  	[tilespmem:v11+s21+$0x0] =	vst.idx.msk $0xffff, v0;
	v0 =	vld [tilespmem:s9+$0x1C50];
	v11 =	vor.u32 s7, v60  }
0x15a: {  	v3 =	vld [tilespmem:s9+$0x28B0];
	[tilespmem:v10+s21+$0x0] =	vst.idx.msk $0xffff, v9;
	v10 =	vor.u32 s7, v53  }
0x15b: {  	v42 =	vor.u32 s7, v61;
	v9 =	vld [tilespmem:s9+$0x28C0];
	[tilespmem:v39+s21+$0x0] =	vst.idx.msk $0xffff, v37  }
0x15c: {  	[tilespmem:v40+s21+$0x0] =	vst.idx.msk $0xffff, v6;
	v6 =	vor.u32 s7, v62  }
0x15d: {  	[tilespmem:v41+s21+$0x0] =	vst.idx.msk $0xffff, v7;
	v7 =	vor.u32 s7, v48  }
0x15e: {  	v43 =	vor.u32 s4, v24;
	[tilespmem:v11+s21+$0x0] =	vst.idx.msk $0xffff, v0  }
0x15f: {  	v0 =	vor.u32 s4, v63;
	[tilespmem:v10+s21+$0x0] =	vst.idx.msk $0xffff, v36  }
0x160: {  	[tilespmem:v42+s21+$0x0] =	vst.idx.msk $0xffff, v3  }
0x161: {  	v3 =	vor.u32 s4, v54;
	[tilespmem:v6+s21+$0x0] =	vst.idx.msk $0xffff, v9  }
0x162: {  	v6 =	vor.u32 s4, v47;
	[tilespmem:v7+s21+$0x0] =	vst.idx.msk $0xffff, v14  }
0x163: {  	[tilespmem:v43+s21+$0x0] =	vst.idx.msk $0xffff, v20;
	v7 =	vor.u32 s4, v50;
	v9 =	vld [tilespmem:s9+$0x41C0]  }
0x164: {  	[tilespmem:v0+s21+$0x0] =	vst.idx.msk $0xffff, v15;
	v0 =	vor.u32 s4, v51;
	v10 =	vld [tilespmem:s9+$0x41B0]  }
0x165: {  	v11 =	vld [tilespmem:s9+$0x41A0];
	[tilespmem:v34+s21+$0x0] =	vst.idx.msk $0xffff, v8;
	v8 =	vor.u32 s2, v57  }
0x166: {  	[tilespmem:v3+s21+$0x0] =	vst.idx.msk $0xffff, v5;
	v3 =	vld [tilespmem:s9+$0x3520];
	v5 =	vor.u32 s7, v49  }
0x167: {  	[tilespmem:v6+s21+$0x0] =	vst.idx.msk $0xffff, v2;
	v2 =	vld [tilespmem:s9+$0x3530];
	v6 =	vor.u32 s7, v24  }
0x168: {  	[tilespmem:v7+s21+$0x0] =	vst.idx.msk $0xffff, v1;
	v1 =	vld [tilespmem:s9+$0x3540];
	v7 =	vor.u32 s7, v63  }
0x169: {  	v33 =	vmov v54;
	[tilespmem:v0+s21+$0x0] =	vst.idx.msk $0xffff, v21;
	v0 =	vld [tilespmem:s9+$0x3550]  }
0x16a: {  	[tilespmem:v8+s21+$0x0] =	vst.idx.msk $0xffff, v4;
	v4 =	vld [tilespmem:s9+$0x41D0];
	v8 =	vor.u32 s7, v33  }
0x16b: {  	v36 =	vld [tilespmem:s31+$0x4E20];
	[tilespmem:v5+s21+$0x0] =	vst.idx.msk $0xffff, v3;
	v3 =	vor.u32 s7, v47  }
0x16c: {  	v5 =	vld [tilespmem:s31+$0x4E30];
	[tilespmem:v6+s21+$0x0] =	vst.idx.msk $0xffff, v2;
	v2 =	vor.u32 s7, v50  }
0x16d: {  	v37 =	vor.u32 s4, v44;
	v6 =	vld [tilespmem:s31+$0x4E40];
	[tilespmem:v7+s21+$0x0] =	vst.idx.msk $0xffff, v1  }
0x16e: {  	v1 =	vor.u32 s7, v51;
	v7 =	vld [tilespmem:s31+$0x5AC0];
	[tilespmem:v32+s21+$0x0] =	vst.idx.msk $0xffff, v0  }
0x16f: {  	v39 =	vor.u32 s4, v45;
	v0 =	vld [tilespmem:s31+$0x5AD0];
	[tilespmem:v8+s21+$0x0] =	vst.idx.msk $0xffff, v11  }
0x170: {  	v8 =	vld [tilespmem:s31+$0x4E50];
	v11 =	vor.u32 s4, v46;
	[tilespmem:v3+s21+$0x0] =	vst.idx.msk $0xffff, v10  }
0x171: {  	v3 =	vld [tilespmem:s31+$0x5AA0];
	v10 =	vor.u32 s4, v52;
	[tilespmem:v2+s21+$0x0] =	vst.idx.msk $0xffff, v9  }
0x172: {  	v2 =	vld [tilespmem:s31+$0x5AB0];
	v9 =	vor.u32 s4, v38;
	[tilespmem:v37+s21+$0x0] =	vst.idx.msk $0xffff, v36  }
0x173: {  	[tilespmem:v1+s21+$0x0] =	vst.idx.msk $0xffff, v4;
	v1 =	vor.u32 s4, v35  }
0x174: {  	[tilespmem:v39+s21+$0x0] =	vst.idx.msk $0xffff, v5;
	v5 =	vor.u32 s4, v55;
	v4 =	vld [tilespmem:s9+$0x4E20]  }
0x175: {  	v40 =	vld [tilespmem:s9+$0x4E30];
	[tilespmem:v11+s21+$0x0] =	vst.idx.msk $0xffff, v6;
	v6 =	vor.u32 s4, v57  }
0x176: {  	v11 =	vld [tilespmem:s9+$0x4E40];
	[tilespmem:v10+s21+$0x0] =	vst.idx.msk $0xffff, v8;
	v10 =	vor.u32 s7, v44  }
0x177: {  	v8 =	vld [tilespmem:s9+$0x5AC0];
	[tilespmem:v9+s21+$0x0] =	vst.idx.msk $0xffff, v3;
	v9 =	vor.u32 s7, v45  }
0x178: {  	v3 =	vld [tilespmem:s9+$0x5AD0];
	[tilespmem:v1+s21+$0x0] =	vst.idx.msk $0xffff, v2;
	v2 =	vor.u32 s7, v46  }
0x179: {  	v1 =	vld [tilespmem:s9+$0x4E50];
	[tilespmem:v5+s21+$0x0] =	vst.idx.msk $0xffff, v7;
	v7 =	vor.u32 s7, v52  }
0x17a: {  	v5 =	vld [tilespmem:s9+$0x5AA0];
	[tilespmem:v6+s21+$0x0] =	vst.idx.msk $0xffff, v0;
	v6 =	vor.u32 s7, v38  }
0x17b: {  	v0 =	vld [tilespmem:s9+$0x5AB0];
	[tilespmem:v10+s21+$0x0] =	vst.idx.msk $0xffff, v4;
	v4 =	vor.u32 s7, v35  }
0x17c: {  	[tilespmem:v9+s21+$0x0] =	vst.idx.msk $0xffff, v40;
	v9 =	vor.u32 s7, v55  }
0x17d: {  	[tilespmem:v2+s21+$0x0] =	vst.idx.msk $0xffff, v11;
	v2 =	vor.u32 s7, v57  }
0x17e: {  	[tilespmem:v7+s21+$0x0] =	vst.idx.msk $0xffff, v1  }
0x17f: {  	p3 =	sne.s32 s17, $0x0;
	[tilespmem:v6+s21+$0x0] =	vst.idx.msk $0xffff, v5  }
0x180: {  	p3 =	por !p1, !p3;
	[tilespmem:v4+s21+$0x0] =	vst.idx.msk $0xffff, v0  }
0x181: {  	p3 =	por !p3, !p3;
	[tilespmem:v9+s21+$0x0] =	vst.idx.msk $0xffff, v8  }
0x182: {  	s0 =	simm.s32 @p3 $0x5;
	[tilespmem:v2+s21+$0x0] =	vst.idx.msk $0xffff, v3  }
0x183: {  	_ =	swait.ge @p3 [sflag:s0], $0xC800  }
0x184: {  	[sflag:s0] =	ssyncset.done @p3 $0x0  }
0x185: {  	[sflag:s0] =	ssyncadd.s32 @p3 $0xFFFF3800  }
0x186: {  	[bflag:$0x0] =	sbarrier.arrive $0xFFFF  }
0x187: {  	[spmem:s11] =	stream.strided.scatter [tilespmem:s21], [sflag:$0x7], $0x6400, s23, s22, $0x38;
	[tilespmem:$0x1F720] =	vst v63  }
0x188: {  	_ =	swait.ge [sflag:s24], $0x6400  }
0x189: {  	[sflag:s24] =	ssyncset.done $0x0  }
0x18a: {  	s2 =	simm.s32 @!p0 $0x1;
	[sflag:s24] =	ssyncadd.s32 $0xFFFF9C00  }
0x18b: {  	s4 =	simm.s32 @!p0 $0x800;
	s0 =	sor.u32 @!p0 s3, s30;
	[bflag:$0x0] =	sbarrier.arrive $0xFFFF  }
0x18c: {  	s9 =	simm.s32 @!p0 $0x1C05;
	s0 =	sshrl.u32 @!p0 s0, $0x3;
	s1 =	rddreg [dreg:$0x1]  }
0x18d: {  	s7 =	simm.s32 @!p0 $0x10;
	s0 =	sadd.s32 @!p0 s8, s0;
	s1 =	sshrl.u32 @!p0 s1, $0x3  }
0x18e: {  	[hbm:s0@s4], [sflag:s9] =	dma.strided @!p0 [spmem:s1@s7], $0xC800, s2, $0x10   }
0x18f: {  	s0 =	sadd.s32 @!p2 s30, s12  }
0x190: {  	s0 =	smul.u32 @!p2 $0x32, s0  }
0x191: {  	_ =	swait.ge [sflag:s25], $0x6400  }
0x192: {  	s1 =	simm.s32 @!p2 $0x0;
	[sflag:s25] =	ssyncset.done $0x0;
	s0 =	sshrl.u32 @!p2 s0, $0x3  }
0x193: {  	s2 =	simm.s32 @!p2 $0x190;
	[sflag:s25] =	ssyncadd.s32 $0xFFFF9C00;
	s0 =	sadd.s32 @!p2 s5, s0  }
0x194: {  	[tilespmem:s2], [sflag:$0x2] =	stream.linear.gather @!p2 [hbm4b:s0+s1], $0x190, $0x38;
	[tilespmem:$0x1F720] =	vst v63  }
0x195: {  	s0 =	simm.s32 @!p2 $0x1  }
0x196: {  	_ =	swait.ge @!p2 [sflag:s0], $0x190  }
0x197: {  	[sflag:s0] =	ssyncset.done @!p2 $0x0  }
0x198: {  	s20 =	simm.s32 $0x0;
	v21 =	vld [tilespmem:$0x1FFF0];
	[sflag:s0] =	ssyncadd.s32 @!p2 $0xFFFFFE70;
	s0 =	simm.s32 @!p2 $0x320  }
0x199: {  	[tilespmem:s0], [sflag:$0x3] =	stream.indirect.gather @!p2 [hbm4b:s6+s2], $0x40, s1, s2, $0xb8;
	[tilespmem:$0x1F720] =	vst v63  }
0x19a: {  	v0 =	vld [tilespmem:s20+$0x73A0]  }
0x19b: {  	s29 =	simm.s32 $0x0;
	v1 =	vld [tilespmem:s20+$0x73D0]  }
0x19c: {  	v3 =	vor.u32 s29, v22;
	v4 =	vld [tilespmem:s20+$0x6720]  }
0x19d: {  	v6 =	vld [tilespmem:s20+$0x6730];
	v5 =	vor.u32 s29, v21  }
0x19e: {  	v7 =	vor.u32 s29, v25;
	v8 =	vld [tilespmem:s20+$0x6740]  }
0x19f: {  	v9 =	vor.u32 s29, v26;
	v10 =	vld [tilespmem:s20+$0x6750]  }
0x1a0: {  	v11 =	vor.u32 s29, v27;
	v2 =	vld [tilespmem:s20+$0x73C0]  }
0x1a1: {  	v42 =	vor.u32 s29, v28;
	v41 =	vld [tilespmem:s20+$0x73B0];
	[tilespmem:v3+s21+$0x0] =	vst.idx.msk $0xffff, v4  }
0x1a2: {  	v3 =	vor.u32 s29, v29;
	[tilespmem:v5+s21+$0x0] =	vst.idx.msk $0xffff, v6  }
0x1a3: {  	v4 =	vor.u32 s29, v30;
	[tilespmem:v7+s21+$0x0] =	vst.idx.msk $0xffff, v8  }
0x1a4: {  	[tilespmem:v9+s21+$0x0] =	vst.idx.msk $0xffff, v10  }
0x1a5: {  	[tilespmem:v11+s21+$0x0] =	vst.idx.msk $0xffff, v0  }
0x1a6: {  	[tilespmem:v42+s21+$0x0] =	vst.idx.msk $0xffff, v41  }
0x1a7: {  	s14 =	simm.s32 $0x80;
	[tilespmem:v3+s21+$0x0] =	vst.idx.msk $0xffff, v2  }
0x1a8: {  	v36 =	vld [tilespmem:s14+$0x73A0];
	[tilespmem:v4+s21+$0x0] =	vst.idx.msk $0xffff, v1  }
0x1a9: {  	v1 =	vld [tilespmem:s20+$0x8040]  }
0x1aa: {  	v2 =	vld [tilespmem:s20+$0x8CA0]  }
0x1ab: {  	v5 =	vor.u32 s29, v58;
	v4 =	vld [tilespmem:s20+$0x8020]  }
0x1ac: {  	v7 =	vor.u32 s29, v59;
	v6 =	vld [tilespmem:s20+$0x8030]  }
0x1ad: {  	v9 =	vor.u32 s29, v56;
	v3 =	vld [tilespmem:s20+$0x8CD0]  }
0x1ae: {  	v11 =	vor.u32 s29, v60;
	v10 =	vld [tilespmem:s20+$0x8050]  }
0x1af: {  	v43 =	vor.u32 s29, v53;
	v8 =	vld [tilespmem:s20+$0x8CB0]  }
0x1b0: {  	s28 =	simm.s32 $0x40;
	v12 =	vld [tilespmem:s20+$0x8CC0];
	[tilespmem:v5+s21+$0x0] =	vst.idx.msk $0xffff, v4;
	v4 =	vor.u32 s29, v61  }
0x1b1: {  	s31 =	simm.s32 $0xC0;
	v57 =	vld [tilespmem:s28+$0x73D0];
	[tilespmem:v7+s21+$0x0] =	vst.idx.msk $0xffff, v6;
	v6 =	vor.u32 s29, v62  }
0x1b2: {  	v35 =	vld [tilespmem:s31+$0x73A0];
	[tilespmem:v9+s21+$0x0] =	vst.idx.msk $0xffff, v1;
	v1 =	vor.u32 s29, v48  }
0x1b3: {  	v0 =	vld [tilespmem:s28+$0x73A0];
	[tilespmem:v11+s21+$0x0] =	vst.idx.msk $0xffff, v10  }
0x1b4: {  	v5 =	vld [tilespmem:s28+$0x73C0];
	[tilespmem:v43+s21+$0x0] =	vst.idx.msk $0xffff, v2  }
0x1b5: {  	s26 =	simm.s32 $0x200;
	v7 =	vld [tilespmem:s28+$0x73B0];
	[tilespmem:v4+s21+$0x0] =	vst.idx.msk $0xffff, v8  }
0x1b6: {  	v8 =	vld [tilespmem:s28+$0x6720];
	[tilespmem:v6+s21+$0x0] =	vst.idx.msk $0xffff, v12;
	v6 =	vor.u32 s26, v22  }
0x1b7: {  	v4 =	vld [tilespmem:s28+$0x6730];
	[tilespmem:v1+s21+$0x0] =	vst.idx.msk $0xffff, v3;
	v1 =	vor.u32 s26, v21  }
0x1b8: {  	v10 =	vor.u32 s26, v25;
	v2 =	vld [tilespmem:s28+$0x6740]  }
0x1b9: {  	v37 =	vor.u32 s26, v26;
	s9 =	simm.s32 $0x100;
	v9 =	vld [tilespmem:s28+$0x6750]  }
0x1ba: {  	v39 =	vor.u32 s26, v27;
	v43 =	vor.u32 s29, v33;
	v33 =	vld [tilespmem:s9+$0x73A0]  }
0x1bb: {  	v41 =	vor.u32 s26, v28;
	v12 =	vld [tilespmem:s14+$0x73D0];
	[tilespmem:v6+s21+$0x0] =	vst.idx.msk $0xffff, v8  }
0x1bc: {  	v3 =	vld [tilespmem:s20+$0xA5C0];
	v8 =	vor.u32 s26, v29;
	[tilespmem:v1+s21+$0x0] =	vst.idx.msk $0xffff, v4  }
0x1bd: {  	v11 =	vld [tilespmem:s20+$0xA5B0];
	v4 =	vor.u32 s26, v30;
	[tilespmem:v10+s21+$0x0] =	vst.idx.msk $0xffff, v2  }
0x1be: {  	v13 =	vld [tilespmem:s20+$0xA5A0];
	[tilespmem:v37+s21+$0x0] =	vst.idx.msk $0xffff, v9  }
0x1bf: {  	v40 =	vld [tilespmem:s20+$0x9950];
	[tilespmem:v39+s21+$0x0] =	vst.idx.msk $0xffff, v0  }
0x1c0: {  	v1 =	vld [tilespmem:s20+$0x9920];
	v0 =	vor.u32 s29, v49;
	[tilespmem:v41+s21+$0x0] =	vst.idx.msk $0xffff, v7  }
0x1c1: {  	v42 =	vld [tilespmem:s20+$0x9930];
	[tilespmem:v8+s21+$0x0] =	vst.idx.msk $0xffff, v5;
	v5 =	vor.u32 s29, v24  }
0x1c2: {  	v6 =	vld [tilespmem:s20+$0x9940];
	[tilespmem:v4+s21+$0x0] =	vst.idx.msk $0xffff, v57;
	v4 =	vor.u32 s29, v63  }
0x1c3: {  	v2 =	vld [tilespmem:s20+$0xA5D0];
	v9 =	vor.u32 s29, v31  }
0x1c4: {  	v10 =	vld [tilespmem:s14+$0x73C0]  }
0x1c5: {  	v39 =	vld [tilespmem:s14+$0x6720];
	[tilespmem:v0+s21+$0x0] =	vst.idx.msk $0xffff, v1;
	v1 =	vor.u32 s29, v47  }
0x1c6: {  	v14 =	vld [tilespmem:s28+$0x8040];
	[tilespmem:v5+s21+$0x0] =	vst.idx.msk $0xffff, v42;
	v5 =	vor.u32 s29, v50  }
0x1c7: {  	v15 =	vld [tilespmem:s28+$0x8CA0];
	[tilespmem:v4+s21+$0x0] =	vst.idx.msk $0xffff, v6;
	v4 =	vor.u32 s29, v51  }
0x1c8: {  	v54 =	vmov v49;
	v49 =	vld [tilespmem:s28+$0x8CB0];
	[tilespmem:v9+s21+$0x0] =	vst.idx.msk $0xffff, v40  }
0x1c9: {  	v6 =	vld [tilespmem:s28+$0x8020];
	v9 =	vor.u32 s26, v58;
	[tilespmem:v43+s21+$0x0] =	vst.idx.msk $0xffff, v13  }
0x1ca: {  	[tilespmem:v1+s21+$0x0] =	vst.idx.msk $0xffff, v11;
	v1 =	vld [tilespmem:s28+$0x8030];
	v11 =	vor.u32 s26, v59  }
0x1cb: {  	v0 =	vld [tilespmem:s28+$0x8CD0];
	[tilespmem:v5+s21+$0x0] =	vst.idx.msk $0xffff, v3;
	v3 =	vor.u32 s26, v56  }
0x1cc: {  	v50 =	vld [tilespmem:s28+$0x8050];
	[tilespmem:v4+s21+$0x0] =	vst.idx.msk $0xffff, v2;
	v2 =	vor.u32 s26, v60  }
0x1cd: {  	v32 =	vor.u32 s26, v53;
	v40 =	vld [tilespmem:s14+$0x6730]  }
0x1ce: {  	v5 =	vld [tilespmem:s28+$0x8CC0];
	[tilespmem:v9+s21+$0x0] =	vst.idx.msk $0xffff, v6;
	v6 =	vor.u32 s26, v61  }
0x1cf: {  	v4 =	vld [tilespmem:s20+$0xB220];
	[tilespmem:v11+s21+$0x0] =	vst.idx.msk $0xffff, v1;
	v1 =	vor.u32 s26, v62  }
0x1d0: {  	v17 =	vld [tilespmem:s20+$0xB230];
	[tilespmem:v3+s21+$0x0] =	vst.idx.msk $0xffff, v14;
	v3 =	vor.u32 s26, v48  }
0x1d1: {  	v9 =	vld [tilespmem:s20+$0xB240];
	[tilespmem:v2+s21+$0x0] =	vst.idx.msk $0xffff, v50;
	v2 =	vor.u32 s29, v44  }
0x1d2: {  	v34 =	vor.u32 s29, v45;
	v57 =	vld [tilespmem:s20+$0xBEC0];
	[tilespmem:v32+s21+$0x0] =	vst.idx.msk $0xffff, v15  }
0x1d3: {  	v53 =	vld [tilespmem:s20+$0xBED0];
	[tilespmem:v6+s21+$0x0] =	vst.idx.msk $0xffff, v49;
	v6 =	vor.u32 s29, v46  }
0x1d4: {  	s2 =	simm.s32 $0x400;
	v11 =	vld [tilespmem:s20+$0xB250];
	[tilespmem:v1+s21+$0x0] =	vst.idx.msk $0xffff, v5;
	v1 =	vor.u32 s29, v52  }
0x1d5: {  	v37 =	vld [tilespmem:s20+$0xBEA0];
	v5 =	vor.u32 s2, v22;
	[tilespmem:v3+s21+$0x0] =	vst.idx.msk $0xffff, v0  }
0x1d6: {  	v61 =	vld [tilespmem:s20+$0xBEB0];
	v3 =	vor.u32 s2, v21;
	[tilespmem:v2+s21+$0x0] =	vst.idx.msk $0xffff, v4  }
0x1d7: {  	v7 =	vld [tilespmem:s14+$0x73B0];
	v2 =	vor.u32 s29, v38;
	[tilespmem:v34+s21+$0x0] =	vst.idx.msk $0xffff, v17  }
0x1d8: {  	v41 =	vor.u32 s2, v25;
	v13 =	vld [tilespmem:s14+$0x6740];
	[tilespmem:v6+s21+$0x0] =	vst.idx.msk $0xffff, v9  }
0x1d9: {  	v8 =	vld [tilespmem:s14+$0x6750];
	v58 =	vor.u32 s2, v26;
	[tilespmem:v1+s21+$0x0] =	vst.idx.msk $0xffff, v11  }
0x1da: {  	v56 =	vld [tilespmem:s28+$0xA5C0];
	v9 =	vor.u32 s2, v27;
	[tilespmem:v5+s21+$0x0] =	vst.idx.msk $0xffff, v39  }
0x1db: {  	v59 =	vld [tilespmem:s28+$0xA5B0];
	v11 =	vor.u32 s2, v28;
	[tilespmem:v3+s21+$0x0] =	vst.idx.msk $0xffff, v40  }
0x1dc: {  	v60 =	vld [tilespmem:s28+$0xA5A0];
	[tilespmem:v2+s21+$0x0] =	vst.idx.msk $0xffff, v37  }
0x1dd: {  	s4 =	simm.s32 $0x600;
	v0 =	vld [tilespmem:s28+$0x9950];
	[tilespmem:v41+s21+$0x0] =	vst.idx.msk $0xffff, v13  }
0x1de: {  	s7 =	simm.s32 $0x800;
	v45 =	vor.u32 s4, v30;
	v19 =	vor.u32 s2, v29;
	v20 =	vor.u32 s2, v30;
	v4 =	vld [tilespmem:s28+$0x9940];
	[tilespmem:v58+s21+$0x0] =	vst.idx.msk $0xffff, v8  }
0x1df: {  	v47 =	vor.u32 s4, v27;
	v42 =	vor.u32 s7, v25;
	v43 =	vor.u32 s7, v26;
	v62 =	vld [tilespmem:s28+$0xA5D0];
	[tilespmem:v9+s21+$0x0] =	vst.idx.msk $0xffff, v36  }
0x1e0: {  	v51 =	vor.u32 s4, v22;
	v48 =	vor.u32 s4, v28;
	v44 =	vor.u32 s2, v31;
	v6 =	vld [tilespmem:s28+$0x9920];
	[tilespmem:v11+s21+$0x0] =	vst.idx.msk $0xffff, v7  }
0x1e1: {  	v50 =	vor.u32 s4, v26;
	v32 =	vor.u32 s7, v31;
	v49 =	vor.u32 s4, v25;
	v2 =	vld [tilespmem:$0x1FE10]  }
0x1e2: {  	v46 =	vor.u32 s4, v29;
	v52 =	vor.u32 s4, v21;
	v38 =	vor.u32 s7, v27;
	v5 =	vld [tilespmem:s28+$0x9930]  }
0x1e3: {  	v34 =	vor.u32 s4, v31;
	v1 =	vld [tilespmem:s31+$0x73D0];
	v39 =	vor.u32 s7, v28;
	v40 =	vor.u32 s7, v22  }
0x1e4: {  	v3 =	vld [tilespmem:s31+$0x73C0];
	v41 =	vor.u32 s7, v21;
	v37 =	vor.u32 s7, v29;
	v58 =	vor.u32 s26, v31  }
0x1e5: {  	v8 =	vor.u32 s26, v24;
	v36 =	vor.u32 s7, v30;
	v9 =	vor.u32 s26, v54;
	v54 =	vld [tilespmem:s31+$0x73B0];
	[tilespmem:v19+s21+$0x0] =	vst.idx.msk $0xffff, v10  }
0x1e6: {  	s1 =	simm.s32 $0x5;
	s20 =	simm.s32 $0x500;
	v11 =	vor.u32 s26, v63;
	v10 =	vor.u32 s29, v55;
	v55 =	vld [tilespmem:s31+$0x6750];
	[tilespmem:v20+s21+$0x0] =	vst.idx.msk $0xffff, v12;
	v7 =	vor.u32 s29, v2  }
.LBB2_5:
0x1e7: {  	_ =	sdelay $0x1  }
0x1e8: {  	v2 =	vld [tilespmem:$0x1FE80]  }
0x1e9: {  	v12 =	vld [tilespmem:s14+$0x8040];
	[tilespmem:v9+s21+$0x0] =	vst.idx.msk $0xffff, v6  }
0x1ea: {  	v13 =	vld [tilespmem:s14+$0x8CA0];
	[tilespmem:v7+s21+$0x0] =	vst.idx.msk $0xffff, v61  }
0x1eb: {  	v7 =	vld [tilespmem:s14+$0x8CD0];
	[tilespmem:v10+s21+$0x0] =	vst.idx.msk $0xffff, v57  }
0x1ec: {  	v10 =	vld [tilespmem:s14+$0x8CB0]  }
0x1ed: {  	v14 =	vor.u32 s26, v2;
	v2 =	vld [tilespmem:$0x1FE60]  }
0x1ee: {  	[tilespmem:v8+s21+$0x0] =	vst.idx.msk $0xffff, v5;
	v5 =	vld [tilespmem:$0x1FE50]  }
0x1ef: {  	v8 =	vld [tilespmem:s14+$0x8050]  }
0x1f0: {  	[tilespmem:v11+s21+$0x0] =	vst.idx.msk $0xffff, v4;
	v4 =	vld [tilespmem:$0x1FE70]  }
0x1f1: {  	v16 =	vld [tilespmem:s14+$0x8020]  }
0x1f2: {  	[tilespmem:v58+s21+$0x0] =	vst.idx.msk $0xffff, v0;
	v0 =	vld [tilespmem:$0x1FE40];
	v15 =	vor.u32 s26, v2  }
0x1f3: {  	s15 =	sshll.u32 s1, $0x9;
	v20 =	vld [tilespmem:$0x1FEF0];
	v5 =	vor.u32 s26, v5  }
0x1f4: {  	v6 =	vor.u32 s15, v22;
	v22 =	vld [tilespmem:$0x1FF70]  }
0x1f5: {  	s0 =	sshra.s32 s20, $0x2;
	v61 =	vld [tilespmem:$0x1FF10];
	v4 =	vor.u32 s26, v4  }
0x1f6: {  	v9 =	vor.u32 s15, v31;
	v17 =	vld [tilespmem:s0+$0x73A0];
	[tilespmem:v14+s21+$0x0] =	vst.idx.msk $0xffff, v60  }
0x1f7: {  	v58 =	vmovc v44;
	v44 =	vmovc v34;
	v34 =	vmov v32;
	v32 =	vmov v9;
	v0 =	vor.u32 s29, v0;
	v9 =	vld [tilespmem:s31+$0x6740];
	[tilespmem:v15+s21+$0x0] =	vst.idx.msk $0xffff, v59  }
0x1f8: {  	v63 =	vmov v1;
	v24 =	vmov v21;
	v1 =	vor.u32 s15, v21;
	s29 =	smov.u32 s26;
	s26 =	smov.u32 s2;
	v21 =	vld [tilespmem:s14+$0x8030];
	[tilespmem:v5+s21+$0x0] =	vst.idx.msk $0xffff, v56  }
0x1f9: {  	v20 =	vor.u32 s26, v20;
	v5 =	vld [tilespmem:s14+$0x8CC0]  }
0x1fa: {  	[tilespmem:v4+s21+$0x0] =	vst.idx.msk $0xffff, v62;
	v4 =	vld [tilespmem:$0x1FF90]  }
0x1fb: {  	v59 =	vld [tilespmem:s28+$0xB220]  }
0x1fc: {  	v22 =	vor.u32 s26, v22;
	[tilespmem:v0+s21+$0x0] =	vst.idx.msk $0xffff, v53;
	v0 =	vld [tilespmem:$0x1FF30]  }
0x1fd: {  	v56 =	vor.u32 s26, v61;
	v60 =	vld [tilespmem:s28+$0xB230]  }
0x1fe: {  	[tilespmem:v20+s21+$0x0] =	vst.idx.msk $0xffff, v16;
	v16 =	vld [tilespmem:$0x1FFB0]  }
0x1ff: {  	v62 =	vld [tilespmem:$0x1FFD0];
	v4 =	vor.u32 s26, v4  }
0x200: {  	v20 =	vld [tilespmem:s28+$0xB240]  }
0x201: {  	[tilespmem:v22+s21+$0x0] =	vst.idx.msk $0xffff, v21;
	v21 =	vld [tilespmem:$0x1FF40];
	v0 =	vor.u32 s26, v0  }
0x202: {  	v57 =	vld [tilespmem:s28+$0xBEC0];
	[tilespmem:v56+s21+$0x0] =	vst.idx.msk $0xffff, v12  }
0x203: {  	v53 =	vld [tilespmem:s28+$0xBED0];
	v16 =	vor.u32 s26, v16  }
0x204: {  	[tilespmem:v4+s21+$0x0] =	vst.idx.msk $0xffff, v8;
	v8 =	vld [tilespmem:$0x1FEA0]  }
0x205: {  	v4 =	vld [tilespmem:s28+$0xB250]  }
0x206: {  	v21 =	vor.u32 s26, v21;
	[tilespmem:v0+s21+$0x0] =	vst.idx.msk $0xffff, v13;
	v0 =	vld [tilespmem:$0x1FEB0]  }
0x207: {  	v13 =	vld [tilespmem:s28+$0xBEA0]  }
0x208: {  	v12 =	vor.u32 s26, v62;
	[tilespmem:v16+s21+$0x0] =	vst.idx.msk $0xffff, v10;
	v10 =	vld [tilespmem:$0x1FEC0]  }
0x209: {  	v61 =	vld [tilespmem:s28+$0xBEB0];
	s28 =	smov.u32 s14;
	s14 =	smov.u32 s31;
	v8 =	vor.u32 s29, v8  }
0x20a: {  	v16 =	vld [tilespmem:s14+$0x6730]  }
0x20b: {  	[tilespmem:v21+s21+$0x0] =	vst.idx.msk $0xffff, v5;
	v5 =	vld [tilespmem:$0x1FED0];
	v0 =	vor.u32 s29, v0;
	_ =	sdelay $0x1  }
0x20c: {  	v21 =	vld [tilespmem:s14+$0x6720];
	[tilespmem:v12+s21+$0x0] =	vst.idx.msk $0xffff, v7  }
0x20d: {  	v56 =	vld [tilespmem:s28+$0xA5C0];
	[tilespmem:v8+s21+$0x0] =	vst.idx.msk $0xffff, v59  }
0x20e: {  	v10 =	vor.u32 s29, v10;
	v59 =	vld [tilespmem:s28+$0xA5B0]  }
0x20f: {  	v5 =	vor.u32 s29, v5;
	[tilespmem:v0+s21+$0x0] =	vst.idx.msk $0xffff, v60;
	v0 =	vld [tilespmem:$0x1FEE0];
	_ =	sdelay $0x3  }
0x210: {  	v60 =	vld [tilespmem:s28+$0xA5A0];
	[tilespmem:v10+s21+$0x0] =	vst.idx.msk $0xffff, v20  }
0x211: {  	v7 =	vor.u32 s29, v0;
	v0 =	vld [tilespmem:s28+$0x9950];
	[tilespmem:v5+s21+$0x0] =	vst.idx.msk $0xffff, v4  }
0x212: {  	v8 =	vld [tilespmem:$0x1FE20];
	[tilespmem:v51+s21+$0x0] =	vst.idx.msk $0xffff, v21  }
0x213: {  	v4 =	vld [tilespmem:s28+$0x9940]  }
0x214: {  	[tilespmem:v52+s21+$0x0] =	vst.idx.msk $0xffff, v16;
	v52 =	vmov v41;
	v41 =	vmov v1;
	v1 =	vld [tilespmem:$0x1FF60]  }
0x215: {  	v51 =	vmov v40;
	v40 =	vmov v6;
	v6 =	vld [tilespmem:s28+$0x9920]  }
0x216: {  	v5 =	vld [tilespmem:s28+$0x9930];
	[tilespmem:v7+s21+$0x0] =	vst.idx.msk $0xffff, v13  }
0x217: {  	v21 =	vmov v24;
	v24 =	vld [tilespmem:$0x1FE30];
	[tilespmem:v49+s21+$0x0] =	vst.idx.msk $0xffff, v9  }
0x218: {  	v18 =	vor.u32 s15, v26;
	v62 =	vld [tilespmem:s28+$0xA5D0]  }
0x219: {  	s31 =	smov.u32 s9;
	[tilespmem:v50+s21+$0x0] =	vst.idx.msk $0xffff, v55;
	v50 =	vmov v43;
	v43 =	vmov v18;
	v18 =	vld [tilespmem:$0x1FE10]  }
0x21a: {  	v2 =	vmov v3;
	v3 =	vor.u32 s15, v25;
	v9 =	vor.u32 s26, v1;
	v1 =	vld [tilespmem:s31+$0x73D0];
	[tilespmem:v47+s21+$0x0] =	vst.idx.msk $0xffff, v35  }
0x21b: {  	v49 =	vmov v42;
	v42 =	vmov v3;
	v3 =	vld [tilespmem:s31+$0x73C0];
	[tilespmem:v48+s21+$0x0] =	vst.idx.msk $0xffff, v54  }
0x21c: {  	v54 =	vld [tilespmem:s31+$0x73B0]  }
0x21d: {  	p2 =	sne.s32 s20, $0x3100;
	s2 =	smov.u32 s4;
	[tilespmem:v46+s21+$0x0] =	vst.idx.msk $0xffff, v2;
	v2 =	vld [tilespmem:$0x1FFE0]  }
.Ltmp5:
0x21e: {  	v11 =	vor.u32 s15, v27;
	s4 =	smov.u32 s7;
	s7 =	smov.u32 s15;
	(pc) =	sbr.rel @p2 .LBB2_5-.Ltmp5, $4  }
0x21f: {  	v14 =	vor.u32 s7, v28;
	v19 =	vor.u32 s7, v29;
	v15 =	vor.u32 s7, v30  }
0x220: {  	s16 =	smov.u32 s20;
	v22 =	vmovc v23;
	v10 =	vor.u32 s29, v8;
	v47 =	vmovc v38;
	v38 =	vmov v11;
	v35 =	vmov v33  }
0x221: {  	s16 =	sadd.s32 $0x100, s20;
	v33 =	vmovc v17;
	v11 =	vor.u32 s26, v24;
	v48 =	vmovc v39;
	v39 =	vmov v14;
	v46 =	vmov v37  }
0x222: {  	s1 =	sadd.s32 $0x1, s1;
	s20 =	smov.u32 s16;
	s9 =	smov.u32 s0;
	v37 =	vmovc v19;
	v55 =	vld [tilespmem:s31+$0x6750];
	[tilespmem:v45+s21+$0x0] =	vst.idx.msk $0xffff, v63;
	v45 =	vmovc v36;
	v36 =	vmov v15;
	v7 =	vor.u32 s29, v18;
	v8 =	vor.u32 s26, v2  }
0x223: {  	_ =	sdelay $0x3  }
0x224: {  	[tilespmem:v9+s21+$0x0] =	vst.idx.msk $0xffff, v6  }
0x225: {  	[tilespmem:v7+s21+$0x0] =	vst.idx.msk $0xffff, v61  }
0x226: {  	v30 =	vld [tilespmem:$0x1FE80]  }
0x227: {  	[tilespmem:v10+s21+$0x0] =	vst.idx.msk $0xffff, v57  }
0x228: {  	v63 =	vld [tilespmem:$0x1FE60];
	[tilespmem:v8+s21+$0x0] =	vst.idx.msk $0xffff, v5  }
0x229: {  	v61 =	vld [tilespmem:$0x1FE50];
	[tilespmem:v11+s21+$0x0] =	vst.idx.msk $0xffff, v4  }
0x22a: {  	v23 =	vld [tilespmem:$0x1FE70];
	[tilespmem:v58+s21+$0x0] =	vst.idx.msk $0xffff, v0  }
0x22b: {  	v57 =	vld [tilespmem:$0x1FE40];
	v29 =	vor.u32 s26, v30;
	_ =	sdelay $0x1  }
0x22c: {  	v31 =	vor.u32 s26, v63  }
0x22d: {  	v2 =	vld [tilespmem:s14+$0x8040];
	v8 =	vor.u32 s26, v61  }
0x22e: {  	v7 =	vld [tilespmem:s14+$0x8CA0];
	v10 =	vor.u32 s26, v23  }
0x22f: {  	v5 =	vld [tilespmem:s14+$0x8CD0];
	v11 =	vor.u32 s29, v57;
	[tilespmem:v29+s21+$0x0] =	vst.idx.msk $0xffff, v60  }
0x230: {  	v20 =	vld [tilespmem:$0x1FEF0]  }
0x231: {  	v58 =	vld [tilespmem:s14+$0x8020];
	[tilespmem:v31+s21+$0x0] =	vst.idx.msk $0xffff, v59  }
0x232: {  	v31 =	vld [tilespmem:$0x1FF70];
	[tilespmem:v8+s21+$0x0] =	vst.idx.msk $0xffff, v56  }
0x233: {  	v29 =	vld [tilespmem:$0x1FF10];
	[tilespmem:v10+s21+$0x0] =	vst.idx.msk $0xffff, v62  }
0x234: {  	v27 =	vld [tilespmem:$0x1FF90];
	[tilespmem:v11+s21+$0x0] =	vst.idx.msk $0xffff, v53  }
0x235: {  	v62 =	vld [tilespmem:$0x1FF30];
	v12 =	vor.u32 s2, v20  }
0x236: {  	v4 =	vld [tilespmem:s14+$0x8CB0]  }
0x237: {  	v59 =	vld [tilespmem:s14+$0x8030];
	v13 =	vor.u32 s2, v31  }
0x238: {  	v0 =	vld [tilespmem:s14+$0x8050];
	v14 =	vor.u32 s2, v29  }
0x239: {  	v10 =	vld [tilespmem:s14+$0x8CC0];
	v15 =	vor.u32 s2, v27  }
0x23a: {  	v11 =	vld [tilespmem:s28+$0xB220];
	v16 =	vor.u32 s2, v62;
	[tilespmem:v12+s21+$0x0] =	vst.idx.msk $0xffff, v58  }
0x23b: {  	v26 =	vld [tilespmem:$0x1FFB0]  }
0x23c: {  	v60 =	vld [tilespmem:s28+$0xB230];
	[tilespmem:v13+s21+$0x0] =	vst.idx.msk $0xffff, v59  }
0x23d: {  	v28 =	vld [tilespmem:$0x1FF40];
	[tilespmem:v14+s21+$0x0] =	vst.idx.msk $0xffff, v2  }
0x23e: {  	v25 =	vld [tilespmem:$0x1FFD0];
	[tilespmem:v15+s21+$0x0] =	vst.idx.msk $0xffff, v0  }
0x23f: {  	v53 =	vld [tilespmem:$0x1FEA0];
	[tilespmem:v16+s21+$0x0] =	vst.idx.msk $0xffff, v7  }
0x240: {  	v56 =	vld [tilespmem:$0x1FEB0];
	v12 =	vor.u32 s2, v26  }
0x241: {  	v9 =	vld [tilespmem:s28+$0xB240]  }
0x242: {  	v2 =	vld [tilespmem:s28+$0xBEC0];
	v13 =	vor.u32 s2, v28  }
0x243: {  	v0 =	vld [tilespmem:s28+$0xBED0];
	v14 =	vor.u32 s2, v25  }
0x244: {  	v7 =	vld [tilespmem:s28+$0xB250];
	v15 =	vor.u32 s26, v53  }
0x245: {  	v16 =	vor.u32 s26, v56;
	[tilespmem:v12+s21+$0x0] =	vst.idx.msk $0xffff, v4;
	v4 =	vld [tilespmem:s28+$0xBEA0]  }
0x246: {  	v58 =	vld [tilespmem:$0x1FEC0]  }
0x247: {  	[tilespmem:v13+s21+$0x0] =	vst.idx.msk $0xffff, v10;
	v10 =	vld [tilespmem:s28+$0xBEB0]  }
0x248: {  	v59 =	vld [tilespmem:$0x1FED0];
	[tilespmem:v14+s21+$0x0] =	vst.idx.msk $0xffff, v5  }
0x249: {  	v5 =	vld [tilespmem:s31+$0x6720];
	[tilespmem:v15+s21+$0x0] =	vst.idx.msk $0xffff, v11  }
0x24a: {  	v11 =	vld [tilespmem:s31+$0x6730];
	[tilespmem:v16+s21+$0x0] =	vst.idx.msk $0xffff, v60  }
0x24b: {  	v60 =	vld [tilespmem:$0x1FEE0]  }
0x24c: {  	v8 =	vld [tilespmem:s31+$0x6740];
	_ =	sdelay $0x1  }
0x24d: {  	v12 =	vor.u32 s26, v58  }
0x24e: {  	v13 =	vor.u32 s26, v59;
	[tilespmem:v51+s21+$0x0] =	vst.idx.msk $0xffff, v5  }
0x24f: {  	[tilespmem:v52+s21+$0x0] =	vst.idx.msk $0xffff, v11;
	v14 =	vor.u32 s26, v60  }
0x250: {  	[tilespmem:v49+s21+$0x0] =	vst.idx.msk $0xffff, v8  }
0x251: {  	[tilespmem:v50+s21+$0x0] =	vst.idx.msk $0xffff, v55  }
0x252: {  	[tilespmem:v12+s21+$0x0] =	vst.idx.msk $0xffff, v9  }
0x253: {  	v6 =	vld [tilespmem:s14+$0xA5C0];
	[tilespmem:v13+s21+$0x0] =	vst.idx.msk $0xffff, v7  }
0x254: {  	v16 =	vld [tilespmem:s9+$0x73C0];
	[tilespmem:v14+s21+$0x0] =	vst.idx.msk $0xffff, v4  }
0x255: {  	v49 =	vld [tilespmem:$0x1FF60];
	[tilespmem:v47+s21+$0x0] =	vst.idx.msk $0xffff, v35  }
0x256: {  	v5 =	vld [tilespmem:s14+$0x9950];
	[tilespmem:v48+s21+$0x0] =	vst.idx.msk $0xffff, v54  }
0x257: {  	v47 =	vld [tilespmem:$0x1FFE0]  }
0x258: {  	v11 =	vld [tilespmem:s14+$0x9940]  }
0x259: {  	v15 =	vor.u32 s26, v18;
	v52 =	vld [tilespmem:s14+$0x9930]  }
0x25a: {  	v4 =	vld [tilespmem:s14+$0x9920];
	v13 =	vor.u32 s2, v49  }
0x25b: {  	v9 =	vld [tilespmem:s14+$0xA5B0]  }
0x25c: {  	v12 =	vld [tilespmem:s14+$0xA5D0];
	v17 =	vor.u32 s2, v47  }
0x25d: {  	v7 =	vld [tilespmem:s14+$0xA5A0];
	v35 =	vmov v18;
	v18 =	vor.u32 s2, v24;
	[tilespmem:v46+s21+$0x0] =	vst.idx.msk $0xffff, v3  }
0x25e: {  	v14 =	vld [tilespmem:s9+$0x73D0];
	[tilespmem:v15+s21+$0x0] =	vst.idx.msk $0xffff, v10  }
0x25f: {  	v3 =	vld [tilespmem:s9+$0x73B0];
	[tilespmem:v13+s21+$0x0] =	vst.idx.msk $0xffff, v4;
	v13 =	vor.u32 s2, v30  }
0x260: {  	v15 =	vor.u32 s2, v63;
	[tilespmem:v45+s21+$0x0] =	vst.idx.msk $0xffff, v1;
	v1 =	vld [tilespmem:s9+$0x6750]  }
0x261: {  	v10 =	vld [tilespmem:s31+$0x8CA0];
	[tilespmem:v17+s21+$0x0] =	vst.idx.msk $0xffff, v52;
	v17 =	vor.u32 s2, v61  }
0x262: {  	v8 =	vld [tilespmem:s31+$0x8CD0];
	[tilespmem:v18+s21+$0x0] =	vst.idx.msk $0xffff, v11;
	v18 =	vor.u32 s2, v23  }
0x263: {  	v19 =	vld [tilespmem:s31+$0x8050];
	[tilespmem:v44+s21+$0x0] =	vst.idx.msk $0xffff, v5  }
0x264: {  	v44 =	vld [tilespmem:$0x1FE20];
	[tilespmem:v13+s21+$0x0] =	vst.idx.msk $0xffff, v7  }
0x265: {  	v46 =	vld [tilespmem:s31+$0x8020];
	[tilespmem:v15+s21+$0x0] =	vst.idx.msk $0xffff, v9;
	v15 =	vor.u32 s4, v20  }
0x266: {  	v48 =	vld [tilespmem:s31+$0x8030];
	[tilespmem:v17+s21+$0x0] =	vst.idx.msk $0xffff, v6;
	v17 =	vor.u32 s4, v31  }
0x267: {  	v4 =	vld [tilespmem:s31+$0x8040];
	[tilespmem:v18+s21+$0x0] =	vst.idx.msk $0xffff, v12;
	v18 =	vor.u32 s4, v29  }
0x268: {  	v51 =	vor.u32 s4, v27;
	v11 =	vld [tilespmem:s31+$0x8CB0]  }
0x269: {  	v9 =	vld [tilespmem:s9+$0x6740];
	v45 =	vor.u32 s26, v44  }
0x26a: {  	v52 =	vor.u32 s4, v62;
	v12 =	vld [tilespmem:s31+$0x8CC0];
	[tilespmem:v15+s21+$0x0] =	vst.idx.msk $0xffff, v46  }
0x26b: {  	v13 =	vor.u32 s26, v57;
	v5 =	vld [tilespmem:s14+$0xB220];
	[tilespmem:v17+s21+$0x0] =	vst.idx.msk $0xffff, v48  }
0x26c: {  	v54 =	vor.u32 s4, v26;
	v15 =	vld [tilespmem:s14+$0xB240];
	[tilespmem:v18+s21+$0x0] =	vst.idx.msk $0xffff, v4  }
0x26d: {  	v46 =	vld [tilespmem:s9+$0x6720];
	[tilespmem:v51+s21+$0x0] =	vst.idx.msk $0xffff, v19  }
0x26e: {  	v55 =	vor.u32 s4, v28;
	v17 =	vld [tilespmem:s14+$0xBEC0];
	[tilespmem:v45+s21+$0x0] =	vst.idx.msk $0xffff, v2  }
0x26f: {  	v48 =	vld [tilespmem:s9+$0x6730];
	v45 =	vor.u32 s4, v25;
	[tilespmem:v52+s21+$0x0] =	vst.idx.msk $0xffff, v10  }
0x270: {  	v18 =	vld [tilespmem:s14+$0xBED0];
	[tilespmem:v13+s21+$0x0] =	vst.idx.msk $0xffff, v0  }
0x271: {  	v51 =	vld [tilespmem:s14+$0xB250];
	[tilespmem:v54+s21+$0x0] =	vst.idx.msk $0xffff, v11  }
0x272: {  	v52 =	vld [tilespmem:s14+$0xBEA0];
	[tilespmem:v40+s21+$0x0] =	vst.idx.msk $0xffff, v46  }
0x273: {  	v13 =	vld [tilespmem:s14+$0xB230];
	[tilespmem:v55+s21+$0x0] =	vst.idx.msk $0xffff, v12  }
0x274: {  	v54 =	vld [tilespmem:s14+$0xBEB0];
	[tilespmem:v45+s21+$0x0] =	vst.idx.msk $0xffff, v8  }
0x275: {  	[tilespmem:v41+s21+$0x0] =	vst.idx.msk $0xffff, v48;
	v2 =	vld [tilespmem:s31+$0xA5C0]  }
0x276: {  	[tilespmem:v42+s21+$0x0] =	vst.idx.msk $0xffff, v9;
	v0 =	vld [tilespmem:s31+$0xA5B0]  }
0x277: {  	v55 =	vor.u32 s2, v53;
	[tilespmem:v43+s21+$0x0] =	vst.idx.msk $0xffff, v1;
	v8 =	vld [tilespmem:s31+$0xA5A0]  }
0x278: {  	v40 =	vor.u32 s2, v56;
	[tilespmem:v38+s21+$0x0] =	vst.idx.msk $0xffff, v33;
	v9 =	vld [tilespmem:s31+$0x9950]  }
0x279: {  	v41 =	vor.u32 s2, v58;
	v11 =	vld [tilespmem:s31+$0x9940];
	[tilespmem:v39+s21+$0x0] =	vst.idx.msk $0xffff, v3  }
0x27a: {  	v12 =	vld [tilespmem:s31+$0x9920];
	[tilespmem:v37+s21+$0x0] =	vst.idx.msk $0xffff, v16;
	v16 =	vor.u32 s2, v59  }
0x27b: {  	v19 =	vld [tilespmem:s31+$0x9930];
	[tilespmem:v36+s21+$0x0] =	vst.idx.msk $0xffff, v14;
	v14 =	vor.u32 s2, v60  }
0x27c: {  	v50 =	vmov v20;
	v42 =	vor.u32 s4, v49;
	v20 =	vld [tilespmem:s31+$0xA5D0];
	[tilespmem:v55+s21+$0x0] =	vst.idx.msk $0xffff, v5  }
0x27d: {  	v45 =	vor.u32 s2, v35;
	[tilespmem:v40+s21+$0x0] =	vst.idx.msk $0xffff, v13;
	v43 =	vld [tilespmem:s9+$0x8040]  }
0x27e: {  	v46 =	vor.u32 s2, v44;
	v13 =	vld [tilespmem:s9+$0x8CA0];
	[tilespmem:v41+s21+$0x0] =	vst.idx.msk $0xffff, v15  }
0x27f: {  	v48 =	vld [tilespmem:s9+$0x8020];
	[tilespmem:v16+s21+$0x0] =	vst.idx.msk $0xffff, v51;
	v16 =	vor.u32 s7, v50  }
0x280: {  	v51 =	vld [tilespmem:s9+$0x8030];
	[tilespmem:v14+s21+$0x0] =	vst.idx.msk $0xffff, v52;
	v14 =	vor.u32 s7, v31  }
0x281: {  	v15 =	vld [tilespmem:s9+$0x8CD0];
	[tilespmem:v42+s21+$0x0] =	vst.idx.msk $0xffff, v12;
	v12 =	vor.u32 s7, v29  }
0x282: {  	v55 =	vor.u32 s7, v27;
	[tilespmem:v45+s21+$0x0] =	vst.idx.msk $0xffff, v54;
	v54 =	vld [tilespmem:s9+$0x8050]  }
0x283: {  	v33 =	vld [tilespmem:s9+$0x8CC0];
	[tilespmem:v46+s21+$0x0] =	vst.idx.msk $0xffff, v17;
	v17 =	vor.u32 s7, v62  }
0x284: {  	v36 =	vor.u32 s7, v26;
	v52 =	vld [tilespmem:s9+$0x8CB0];
	[tilespmem:v16+s21+$0x0] =	vst.idx.msk $0xffff, v48  }
0x285: {  	v37 =	vor.u32 s7, v28;
	[tilespmem:v14+s21+$0x0] =	vst.idx.msk $0xffff, v51  }
0x286: {  	v38 =	vor.u32 s7, v25;
	[tilespmem:v12+s21+$0x0] =	vst.idx.msk $0xffff, v43  }
0x287: {  	[tilespmem:v55+s21+$0x0] =	vst.idx.msk $0xffff, v54  }
0x288: {  	v39 =	vor.u32 s4, v47;
	[tilespmem:v17+s21+$0x0] =	vst.idx.msk $0xffff, v13  }
0x289: {  	v40 =	vor.u32 s4, v24;
	[tilespmem:v36+s21+$0x0] =	vst.idx.msk $0xffff, v52  }
0x28a: {  	[tilespmem:v37+s21+$0x0] =	vst.idx.msk $0xffff, v33  }
0x28b: {  	v41 =	vor.u32 s4, v30;
	[tilespmem:v38+s21+$0x0] =	vst.idx.msk $0xffff, v15  }
0x28c: {  	v42 =	vor.u32 s4, v63;
	v5 =	vld [tilespmem:s9+$0xA5C0]  }
0x28d: {  	[tilespmem:v39+s21+$0x0] =	vst.idx.msk $0xffff, v19;
	v43 =	vor.u32 s4, v61;
	v7 =	vld [tilespmem:s9+$0xA5B0]  }
0x28e: {  	[tilespmem:v40+s21+$0x0] =	vst.idx.msk $0xffff, v11;
	v45 =	vor.u32 s4, v23;
	v48 =	vld [tilespmem:s9+$0xA5A0]  }
0x28f: {  	[tilespmem:v34+s21+$0x0] =	vst.idx.msk $0xffff, v9;
	v51 =	vld [tilespmem:s9+$0x9920]  }
0x290: {  	v46 =	vor.u32 s2, v57;
	[tilespmem:v41+s21+$0x0] =	vst.idx.msk $0xffff, v8;
	v54 =	vld [tilespmem:s9+$0x9930]  }
0x291: {  	[tilespmem:v42+s21+$0x0] =	vst.idx.msk $0xffff, v0;
	v52 =	vor.u32 s7, v49;
	v33 =	vld [tilespmem:s9+$0x9940]  }
0x292: {  	v55 =	vor.u32 s7, v47;
	[tilespmem:v43+s21+$0x0] =	vst.idx.msk $0xffff, v2;
	v36 =	vld [tilespmem:s9+$0x9950]  }
0x293: {  	v34 =	vor.u32 s7, v24;
	[tilespmem:v45+s21+$0x0] =	vst.idx.msk $0xffff, v20;
	v37 =	vld [tilespmem:s9+$0xA5D0]  }
0x294: {  	v39 =	vld [tilespmem:s31+$0xB220]  }
0x295: {  	[tilespmem:v46+s21+$0x0] =	vst.idx.msk $0xffff, v18;
	v38 =	vor.u32 s7, v30;
	v41 =	vld [tilespmem:s31+$0xB230]  }
0x296: {  	v12 =	vor.u32 s4, v53;
	v43 =	vld [tilespmem:s31+$0xB240];
	[tilespmem:v52+s21+$0x0] =	vst.idx.msk $0xffff, v51  }
0x297: {  	v40 =	vor.u32 s7, v63;
	v6 =	vld [tilespmem:s31+$0xBEC0];
	[tilespmem:v55+s21+$0x0] =	vst.idx.msk $0xffff, v54  }
0x298: {  	v42 =	vor.u32 s7, v61;
	v10 =	vld [tilespmem:s31+$0xBED0];
	[tilespmem:v34+s21+$0x0] =	vst.idx.msk $0xffff, v33  }
0x299: {  	v45 =	vor.u32 s7, v23;
	v52 =	vld [tilespmem:s31+$0xBEA0];
	[tilespmem:v32+s21+$0x0] =	vst.idx.msk $0xffff, v36  }
0x29a: {  	v46 =	vor.u32 s4, v56;
	v55 =	vld [tilespmem:s31+$0xBEB0];
	[tilespmem:v38+s21+$0x0] =	vst.idx.msk $0xffff, v48  }
0x29b: {  	v51 =	vor.u32 s4, v58;
	v48 =	vld [tilespmem:s31+$0xB250];
	[tilespmem:v12+s21+$0x0] =	vst.idx.msk $0xffff, v39  }
0x29c: {  	v54 =	vor.u32 s4, v59;
	[tilespmem:v40+s21+$0x0] =	vst.idx.msk $0xffff, v7  }
0x29d: {  	v32 =	vor.u32 s4, v60;
	[tilespmem:v42+s21+$0x0] =	vst.idx.msk $0xffff, v5  }
0x29e: {  	v33 =	vor.u32 s4, v35;
	[tilespmem:v45+s21+$0x0] =	vst.idx.msk $0xffff, v37  }
0x29f: {  	v34 =	vor.u32 s4, v44;
	[tilespmem:v46+s21+$0x0] =	vst.idx.msk $0xffff, v41;
	v12 =	vld [tilespmem:s9+$0xB220]  }
0x2a0: {  	[tilespmem:v51+s21+$0x0] =	vst.idx.msk $0xffff, v43;
	v37 =	vor.u32 s4, v57;
	v36 =	vld [tilespmem:s9+$0xB230]  }
0x2a1: {  	v40 =	vor.u32 s7, v53;
	v38 =	vld [tilespmem:s9+$0xB240];
	[tilespmem:v54+s21+$0x0] =	vst.idx.msk $0xffff, v48  }
0x2a2: {  	v42 =	vor.u32 s7, v56;
	v39 =	vld [tilespmem:s9+$0xBEC0];
	[tilespmem:v32+s21+$0x0] =	vst.idx.msk $0xffff, v52  }
0x2a3: {  	v45 =	vor.u32 s7, v58;
	v41 =	vld [tilespmem:s9+$0xBED0];
	[tilespmem:v33+s21+$0x0] =	vst.idx.msk $0xffff, v55  }
0x2a4: {  	v43 =	vld [tilespmem:s9+$0xB250];
	v48 =	vor.u32 s7, v59;
	[tilespmem:v34+s21+$0x0] =	vst.idx.msk $0xffff, v6  }
0x2a5: {  	v46 =	vld [tilespmem:s9+$0xBEA0];
	v52 =	vor.u32 s7, v60;
	[tilespmem:v37+s21+$0x0] =	vst.idx.msk $0xffff, v10  }
0x2a6: {  	v51 =	vld [tilespmem:s9+$0xBEB0];
	v54 =	vor.u32 s7, v35;
	[tilespmem:v40+s21+$0x0] =	vst.idx.msk $0xffff, v12  }
0x2a7: {  	v55 =	vor.u32 s7, v44;
	[tilespmem:v42+s21+$0x0] =	vst.idx.msk $0xffff, v36  }
0x2a8: {  	v57 =	vor.u32 s7, v57;
	[tilespmem:v45+s21+$0x0] =	vst.idx.msk $0xffff, v38  }
0x2a9: {  	[tilespmem:v48+s21+$0x0] =	vst.idx.msk $0xffff, v43  }
0x2aa: {  	[tilespmem:v52+s21+$0x0] =	vst.idx.msk $0xffff, v46  }
0x2ab: {  	[tilespmem:v54+s21+$0x0] =	vst.idx.msk $0xffff, v51  }
0x2ac: {  	[tilespmem:v55+s21+$0x0] =	vst.idx.msk $0xffff, v39  }
0x2ad: {  	s0 =	simm.s32 @p3 $0x6;
	[tilespmem:v57+s21+$0x0] =	vst.idx.msk $0xffff, v41  }
0x2ae: {  	_ =	swait.ge @p3 [sflag:s0], $0xC800  }
0x2af: {  	[sflag:s0] =	ssyncset.done @p3 $0x0  }
0x2b0: {  	[sflag:s0] =	ssyncadd.s32 @p3 $0xFFFF3800  }
0x2b1: {  	[bflag:$0x0] =	sbarrier.arrive $0xFFFF  }
0x2b2: {  	[spmem:s13] =	stream.strided.scatter [tilespmem:s21], [sflag:$0x7], $0x6400, s23, s22, $0x38;
	[tilespmem:$0x1F720] =	vst v63  }
.Ltmp6:
0x2b3: {  	_ =	swait.ge [sflag:s24], $0x6400;
	(pc) =	sbr.rel @!p0 .LBB2_7-.Ltmp6, $4  }
0x2b4: {  	v19 =	vmov v49;
	v16 =	vmov v26;
	[sflag:s24] =	ssyncset.done $0x0  }
0x2b5: {  	v14 =	vmovc v27;
	v18 =	vmovc v25;
	v13 =	vmov v29;
	v17 =	vmov v28;
	v15 =	vmov v62;
	[sflag:s24] =	ssyncadd.s32 $0xFFFF9C00  }
0x2b6: {  	v20 =	vmovc v47;
	v47 =	vmovc v59;
	v44 =	vmov v61;
	v12 =	vmov v31;
	v42 =	vmov v30;
	[bflag:$0x0] =	sbarrier.arrive $0xFFFF  }
0x2b7: {  	v45 =	vmovc v56;
	v43 =	vmovc v53;
	v48 =	vmov v60;
	v46 =	vmov v58;
	v41 =	vmov v63  }
0x2b8: {  	s17 =	sadd.s32 $0x1, s17;
	v25 =	vld [tilespmem:$0x1FFC0]  }
0x2b9: {  	v26 =	vld [tilespmem:$0x1FFA0];
	p2 =	seq.s32 s17, $0x20  }
.Ltmp7:
0x2ba: {  	v27 =	vld [tilespmem:$0x1FF80];
	(pc) =	sbr.rel @!p2 .LBB2_2-.Ltmp7, $4  }
.Ltmp8:
0x2bb: {  	v28 =	vld [tilespmem:$0x1FF50];
	(pc) =	sbr.rel @p2 .LBB2_9-.Ltmp8, $4  }
0x2bc: {  	v29 =	vld [tilespmem:$0x1FF20]  }
0x2bd: {  	v30 =	vld [tilespmem:$0x1FE90]  }
0x2be: {  	v31 =	vld [tilespmem:$0x1FF00]  }
0x2bf: {  	_ = 	snop  }
.LBB2_10:
0x2c0: {  	_ =	sfence.sel $0x180000  }
0x2c1: {  	[bflag:$0x0] =	sbarrier.arrive $0xFFFF  }
0x2c2: {  	_ =	strace $0x90000047  }
0x2c3: {  	[bflag:$0x2] =	sbarrier.arrive $0xFFFF  }
0x2c4: {  	s0 =	rddreg [dreg:$0x3]  }
0x2c5: {  	s0 =	sadd.s32 @!p0 $0x100000, s0  }
0x2c6: {  	[sflag:s0] =	ssyncadd.tile.s32 @!p0 $0x1;
	_ =	shalt  }
.Lfunc_end2:
_tile_overlayer_lowered:
.L_overlay_start_2:
0x2c7: {  	(tag) =	ssettag $0x2  }
0x2c8: {  	s0 =	rddreg [dreg:$0x0];
	s2 =	stileid.u32  }
0x2c9: {  	s1 =	rddreg [dreg:$0x1];
	p0 =	sne.s32 s2, $0x0  }
0x2ca: {  	s3 =	rddreg [dreg:$0x2];
	[bflag:$0x3] =	sbarrier.arrive $0xFFFF;
	s2 =	simm.s32 @!p0 $0x1C07  }
0x2cb: {  	[timem:s3], [sflag:s2] =	dma.local @!p0 [hbm:s0], s1  }
0x2cc: {  	s0 =	simm.s32 @!p0 $0x7  }
0x2cd: {  	_ =	swait.ge @!p0 [sflag:s0], s1  }
0x2ce: {  	s1 =	ssub.s32 @!p0 $0x0, s1;
	[sflag:s0] =	ssyncset.done @!p0 $0x0  }
0x2cf: {  	[sflag:s0] =	ssyncadd.s32 @!p0 s1  }
0x2d0: {  	[bflag:$0x3] =	sbarrier.arrive $0xFFFF  }
0x2d1: {  	_ =	shalt  }

</sc_bundles>
